<compile_context>
chip_gen: v7x
topology: tpu7x:2x2x1
jax: 0.10.2.dev20260603
libtpu: 0.0.44.dev20260713+nightly
codegen_flags: <defaults>
</compile_context>

<pallas_src>
import functools

import jax
import jax.numpy as jnp
from jax import lax
from jax.experimental import pallas as pl
from jax.experimental.pallas import tpu as pltpu
from jax.experimental.pallas import tpu_sc as plsc

N = 10000
E = 320000
D = 128
H = 128
ED = 16

NS = 16
CH = 128
CPT = 160
EPAD = NS * CPT * CH
NPAD = 10240
RPT = NPAD // NS
BN = 80
HALF = N // BN
HE0 = 2 * NPAD
TROWS = HE0 + EPAD
BE = 2560


def _silu(v):
    return v * (1.0 / (1.0 + jnp.exp(-v)))


def _node_mlps(x, Wu1, bu1, Wu2, bu2, Wv1, bv1, Wv2, bv2):
    def body(x_ref, wu1, bu1_, wu2, bu2_, wv1, bv1_, wv2, bv2_, t_ref):
        i = pl.program_id(0)
        pick = i < HALF
        w1 = jnp.where(pick, wu1[...], wv1[...])
        b1 = jnp.where(pick, bu1_[...], bv1_[...])
        w2 = jnp.where(pick, wu2[...], wv2[...])
        b2 = jnp.where(pick, bu2_[...], bv2_[...])
        h = _silu(jnp.dot(x_ref[...], w1, preferred_element_type=jnp.float32) + b1)
        t_ref[...] = _silu(jnp.dot(h, w2, preferred_element_type=jnp.float32) + b2)

    wspec = pl.BlockSpec((D, H), lambda i: (0, 0))
    bspec = pl.BlockSpec((1, H), lambda i: (0, 0))
    return pl.pallas_call(
        body,
        grid=(2 * HALF,),
        in_specs=[pl.BlockSpec((BN, D), lambda i: (i % HALF, 0)),
                  wspec, bspec, wspec, bspec, wspec, bspec, wspec, bspec],
        out_specs=pl.BlockSpec((BN, H), lambda i: (jnp.where(i < HALF, i, i + 3), 0)),
        out_shape=jax.ShapeDtypeStruct((TROWS, H), jnp.float32),
    )(x, Wu1, bu1.reshape(1, H), Wu2, bu2.reshape(1, H),
      Wv1, bv1.reshape(1, H), Wv2, bv2.reshape(1, H))


def _edge_mlp(tbl, ef, We1, be1, We2, be2):
    def body(tbl_ref, e_ref, w1, b1, w2, b2, he_ref):
        del tbl_ref
        h = _silu(jnp.dot(e_ref[...], w1[...], preferred_element_type=jnp.float32) + b1[...])
        he_ref[...] = _silu(jnp.dot(h, w2[...], preferred_element_type=jnp.float32) + b2[...])

    return pl.pallas_call(
        body,
        grid=(E // BE,),
        in_specs=[pl.BlockSpec(memory_space=pl.ANY),
                  pl.BlockSpec((BE, ED), lambda i: (i, 0)),
                  pl.BlockSpec((ED, H), lambda i: (0, 0)),
                  pl.BlockSpec((1, H), lambda i: (0, 0)),
                  pl.BlockSpec((H, H), lambda i: (0, 0)),
                  pl.BlockSpec((1, H), lambda i: (0, 0))],
        out_specs=pl.BlockSpec((BE, H), lambda i: (HE0 // BE + i, 0)),
        out_shape=jax.ShapeDtypeStruct((TROWS, H), jnp.float32),
        input_output_aliases={0: 0},
    )(tbl, ef, We1, be1.reshape(1, H), We2, be2.reshape(1, H))


def _sc_segment_sum(table, packed):
    mesh = plsc.VectorSubcoreMesh(core_axis_name="c", subcore_axis_name="s",
                                  num_cores=1)

    @functools.partial(
        pl.kernel,
        mesh=mesh,
        out_type=jax.ShapeDtypeStruct((NPAD, D), jnp.float32),
        scratch_types=[
            pltpu.VMEM((CPT, CH), jnp.int32),
            pltpu.VMEM((CH,), jnp.int32),
            pltpu.VMEM((CH,), jnp.int32),
            pltpu.VMEM((CH,), jnp.int32),
            pltpu.VMEM((CH,), jnp.int32),
            pltpu.VMEM((CH, D), jnp.float32),
            pltpu.VMEM((64, D), jnp.float32),
            pltpu.VMEM_SHARED((NPAD, D), jnp.float32),
            pltpu.SemaphoreType.DMA,
        ],
    )
    def k(tab_hbm, pk_hbm, un_out,
          pk_v, gsrc_v, gdst_v, ghe_v, sdst_v, rows_v, zbuf, un_sh, sem):
        t = lax.axis_index("s")

        def zstore(i, carry):
            r = i // (D // 16)
            col = (i % (D // 16)) * 16
            zbuf[r, pl.ds(col, 16)] = jnp.zeros((16,), jnp.float32)
            return carry
        lax.fori_loop(0, 64 * (D // 16), zstore, 0)

        def zcopy(j, carry):
            pltpu.sync_copy(zbuf, un_sh.at[pl.ds(t * RPT + j * 64, 64)])
            return carry
        lax.fori_loop(0, RPT // 64, zcopy, 0)

        pltpu.sync_copy(pk_hbm.at[pl.ds(t * CPT, CPT)], pk_v)

        plsc.subcore_barrier()

        lanes = lax.iota(jnp.int32, 16)

        def body(j, carry):
            he_base = HE0 + (t * CPT + j) * CH
            for kk in range(CH // 16):
                p = pk_v[j, pl.ds(kk * 16, 16)]
                d = lax.bitwise_and(p, 16383)
                s = lax.shift_right_logical(p, 14)
                sl = pl.ds(kk * 16, 16)
                sdst_v[sl] = d
                gsrc_v[sl] = s
                gdst_v[sl] = d + NPAD
                ghe_v[sl] = lanes + (he_base + kk * 16)
            pltpu.async_copy(tab_hbm.at[gsrc_v], rows_v, sem).wait()
            pltpu.sync_copy(rows_v, un_sh.at[sdst_v], add=True)
            pltpu.async_copy(tab_hbm.at[gdst_v], rows_v, sem).wait()
            pltpu.sync_copy(rows_v, un_sh.at[sdst_v], add=True)
            pltpu.async_copy(tab_hbm.at[ghe_v], rows_v, sem).wait()
            pltpu.sync_copy(rows_v, un_sh.at[sdst_v], add=True)
            return carry
        lax.fori_loop(0, CPT, body, 0)

        plsc.subcore_barrier()

        pltpu.sync_copy(un_sh.at[pl.ds(t * RPT, RPT)],
                        un_out.at[pl.ds(t * RPT, RPT)])

    return k(table, packed)


def _node_out_mlp(x, un, Wn1a, Wn1b, bn1, Wn2, bn2):
    B = 1000

    def body(x_ref, u0, wa, wb, b1, w2, b2, o_ref):
        tmp = _silu(jnp.dot(x_ref[...], wa[...], preferred_element_type=jnp.float32)
                    + jnp.dot(u0[...], wb[...], preferred_element_type=jnp.float32)
                    + b1[...])
        o_ref[...] = jnp.dot(tmp, w2[...], preferred_element_type=jnp.float32) + b2[...]

    wspec = pl.BlockSpec((H, H), lambda i: (0, 0))
    bspec = pl.BlockSpec((1, H), lambda i: (0, 0))
    return pl.pallas_call(
        body,
        grid=(N // B,),
        in_specs=[pl.BlockSpec((B, D), lambda i: (i, 0)),
                  pl.BlockSpec((B, H), lambda i: (i, 0)),
                  pl.BlockSpec((D, H), lambda i: (0, 0)), wspec, bspec, wspec, bspec],
        out_specs=pl.BlockSpec((B, H), lambda i: (i, 0)),
        out_shape=jax.ShapeDtypeStruct((N, H), jnp.float32),
    )(x, un, Wn1a, Wn1b, bn1.reshape(1, H), Wn2, bn2.reshape(1, H))


def kernel(x, edge_index, edge_feat,
           Wu1, bu1, Wu2, bu2,
           Wv1, bv1, Wv2, bv2,
           We1, be1, We2, be2,
           Wn1, bn1, Wn2, bn2):
    tbl = _node_mlps(x, Wu1, bu1, Wu2, bu2, Wv1, bv1, Wv2, bv2)
    tbl = _edge_mlp(tbl, edge_feat, We1, be1, We2, be2)

    pad = EPAD - E
    src_p = jnp.concatenate([edge_index[0], jnp.zeros((pad,), jnp.int32)])
    dst_p = jnp.concatenate([edge_index[1], jnp.full((pad,), N, jnp.int32)])
    packed = ((src_p << 14) | dst_p).reshape(EPAD // CH, CH)

    un = _sc_segment_sum(tbl, packed)

    return _node_out_mlp(x, un, Wn1[:D], Wn1[D:], bn1, Wn2, bn2)

# --- scband reference (transcript-rebuilt; emitter-appended) ---
"""Pipeline reference for scband-egnnconv-17051020165719 (READ-ONLY COPY).

The authoritative reference and input builder live on the scoring server;
editing this copy changes nothing except your own understanding.
"""

import jax, jax.numpy as jnp
import numpy as np

N = 10000
E = 320000
D = 128
H = 128
ED = 16


def _mlp2(x, W1, b1, W2, b2):
    # Linear -> SiLU -> Linear -> SiLU
    h = jax.nn.silu(x @ W1 + b1)
    return jax.nn.silu(h @ W2 + b2)


def setup_inputs(seed: int = 0) -> dict:
    key = jax.random.key(seed)
    ks = jax.random.split(key, 24)

    def w(k, shape):
        return jax.random.normal(k, shape, dtype=jnp.float32) / np.sqrt(shape[0])

    inp = {}
    inp['x'] = jax.random.normal(ks[0], (N, D), dtype=jnp.float32)
    inp['edge_index'] = jax.random.randint(ks[1], (2, E), 0, N, dtype=jnp.int32)
    inp['edge_feat'] = jax.random.normal(ks[2], (E, ED), dtype=jnp.float32)
    # edge_mlp_u
    inp['Wu1'] = w(ks[3], (D, H)); inp['bu1'] = jnp.zeros((H,), jnp.float32)
    inp['Wu2'] = w(ks[4], (H, H)); inp['bu2'] = jnp.zeros((H,), jnp.float32)
    # edge_mlp_v
    inp['Wv1'] = w(ks[5], (D, H)); inp['bv1'] = jnp.zeros((H,), jnp.float32)
    inp['Wv2'] = w(ks[6], (H, H)); inp['bv2'] = jnp.zeros((H,), jnp.float32)
    # edge_mlp_e
    inp['We1'] = w(ks[7], (ED, H)); inp['be1'] = jnp.zeros((H,), jnp.float32)
    inp['We2'] = w(ks[8], (H, H)); inp['be2'] = jnp.zeros((H,), jnp.float32)
    # node_mlp (Linear -> SiLU -> Linear, no final activation)
    inp['Wn1'] = w(ks[9], (D + H, H)); inp['bn1'] = jnp.zeros((H,), jnp.float32)
    inp['Wn2'] = w(ks[10], (H, H)); inp['bn2'] = jnp.zeros((H,), jnp.float32)
    return inp


def reference(x, edge_index, edge_feat,
              Wu1, bu1, Wu2, bu2,
              Wv1, bv1, Wv2, bv2,
              We1, be1, We2, be2,
              Wn1, bn1, Wn2, bn2):
    # homogeneous graph: feat_src == feat_dst == x
    hn_src = _mlp2(x, Wu1, bu1, Wu2, bu2)          # srcdata['hn']
    hn_dst = _mlp2(x, Wv1, bv1, Wv2, bv2)          # dstdata['hn']
    he = _mlp2(edge_feat, We1, be1, We2, be2)      # edata['he']
    src = edge_index[0]
    dst = edge_index[1]
    # edge_update: m = hn[src] + hn[dst] + he
    m = jnp.take(hn_src, src, axis=0) + jnp.take(hn_dst, dst, axis=0) + he
    # fn.sum('m', 'un'): scatter-add messages to destination nodes
    un = jax.ops.segment_sum(m, dst, num_segments=x.shape[0])
    rst = jnp.concatenate([x, un], axis=-1)
    rst = jax.nn.silu(rst @ Wn1 + bn1)
    rst = rst @ Wn2 + bn2
    return rst

if __name__ == "__main__":
    import jax
    _d = setup_inputs()
    print(jax.jit(kernel)(*tuple(_d.values())))

</pallas_src>

<mosaic_0001>
#map = affine_map<(d0, d1) -> (0, 0)>
module attributes {stable_mosaic.version = 14 : i64} {
  func.func @k(%arg0: i32, %arg1: i32, %arg2: memref<348160x128xf32, #tpu.memory_space<hbm>>, %arg3: memref<2560x128xi32, #tpu.memory_space<hbm>>, %arg4: memref<10240x128xf32, #tpu.memory_space<hbm>>, %arg5: memref<160x128xi32, #tpu.memory_space<vmem>>, %arg6: memref<128xi32, #tpu.memory_space<vmem>>, %arg7: memref<128xi32, #tpu.memory_space<vmem>>, %arg8: memref<128xi32, #tpu.memory_space<vmem>>, %arg9: memref<128xi32, #tpu.memory_space<vmem>>, %arg10: memref<128x128xf32, #tpu.memory_space<vmem>>, %arg11: memref<64x128xf32, #tpu.memory_space<vmem>>, %arg12: memref<10240x128xf32, #tpu.memory_space<vmem_shared>>, %arg13: memref<!tpu.dma_semaphore, #tpu.memory_space<semaphore_mem>>) attributes {dimension_semantics = [#tpu.dimension_semantics<core_parallel>, #tpu.dimension_semantics<subcore_parallel>], iteration_bounds = array<i64: 1, 16>, scalar_prefetch = 0 : i64, scratch_operands = 9 : i64, tpu.core_type = #tpu.core_type<sc_vector_subcore>, window_params = [{transform_indices = #map}, {transform_indices = #map}, {transform_indices = #map}]} {
    %scan3A = arith.constant 0 : i32
    %scan3A_0 = arith.constant 0 : i32
    %scan3A_1 = arith.constant 512 : i32
    %scan3A_2 = arith.addi %scan3A_0, %scan3A_1 : i32
    %scan3A_3 = arith.constant 1 : i32
    scf.for %scan3A_23 = %scan3A_0 to %scan3A_2 step %scan3A_3  : i32 {
      %jit3A = arith.constant 8 : i32
      %div3A = arith.divsi %scan3A_23, %jit3A : i32
      %sign3A = arith.constant 0 : i32
      %sign3A_24 = arith.cmpi sgt, %scan3A_23, %sign3A : i32
      %sign3A_25 = arith.extui %sign3A_24 : i1 to i32
      %sign3A_26 = arith.constant 0 : i32
      %sign3A_27 = arith.cmpi slt, %scan3A_23, %sign3A_26 : i32
      %sign3A_28 = arith.extui %sign3A_27 : i1 to i32
      %sign3A_29 = arith.subi %sign3A_25, %sign3A_28 : i32
      %sign3A_30 = arith.constant 0 : i32
      %sign3A_31 = arith.cmpi sgt, %jit3A, %sign3A_30 : i32
      %sign3A_32 = arith.extui %sign3A_31 : i1 to i32
      %sign3A_33 = arith.constant 0 : i32
      %sign3A_34 = arith.cmpi slt, %jit3A, %sign3A_33 : i32
      %sign3A_35 = arith.extui %sign3A_34 : i1 to i32
      %sign3A_36 = arith.subi %sign3A_32, %sign3A_35 : i32
      %ne3A = arith.cmpi ne, %sign3A_29, %sign3A_36 : i32
      %rem3A = arith.remsi %scan3A_23, %jit3A : i32
      %ne3A_37 = arith.constant 0 : i32
      %ne3A_38 = arith.cmpi ne, %rem3A, %ne3A_37 : i32
      %and3A = arith.andi %ne3A, %ne3A_38 : i1
      %sub3A = arith.constant 1 : i32
      %sub3A_39 = arith.subi %div3A, %sub3A : i32
      %select_n3A = arith.select %and3A, %sub3A_39, %div3A : i32
      %jit3A_40 = arith.constant 8 : i32
      %eq3A = arith.constant 0 : i32
      %eq3A_41 = arith.cmpi eq, %jit3A_40, %eq3A : i32
      %jit3A_42 = arith.constant 1 : i32
      %select_n3A_43 = arith.select %eq3A_41, %jit3A_42, %jit3A_40 : i32
      %rem3A_44 = arith.remsi %scan3A_23, %select_n3A_43 : i32
      %ne3A_45 = arith.constant 0 : i32
      %ne3A_46 = arith.cmpi ne, %rem3A_44, %ne3A_45 : i32
      %lt3A = arith.constant 0 : i32
      %lt3A_47 = arith.cmpi slt, %rem3A_44, %lt3A : i32
      %lt3A_48 = arith.constant 0 : i32
      %lt3A_49 = arith.cmpi slt, %select_n3A_43, %lt3A_48 : i32
      %ne3A_50 = arith.xori %lt3A_47, %lt3A_49 : i1
      %and3A_51 = arith.andi %ne3A_50, %ne3A_46 : i1
      %add3A = arith.addi %rem3A_44, %select_n3A_43 : i32
      %select_n3A_52 = arith.select %and3A_51, %add3A, %rem3A_44 : i32
      %mul3A_53 = arith.constant 16 : i32
      %mul3A_54 = arith.muli %select_n3A_52, %mul3A_53 : i32
      %broadcast_in_dim3A = arith.constant 0.000000e+00 : f32
      %broadcast_in_dim3A_55 = vector.broadcast %broadcast_in_dim3A : f32 to vector<16xf32>
      %swap3A = arith.index_cast %select_n3A : i32 to index
      %swap3A_56 = arith.index_cast %mul3A_54 : i32 to index
      %swap3A_57 = tpu.vector_load %arg11[%swap3A, %swap3A_56] {strides = array<i32>} : memref<64x128xf32, #tpu.memory_space<vmem>>, vector<1x16xf32>,
      %swap3A_58 = vector.shape_cast %swap3A_57 : vector<1x16xf32> to vector<16xf32>
      %swap3A_59 = vector.shape_cast %broadcast_in_dim3A_55 : vector<16xf32> to vector<1x16xf32>
      tpu.vector_store %arg11[%swap3A, %swap3A_56], %swap3A_59 {strides = array<i32>} : memref<64x128xf32, #tpu.memory_space<vmem>>, vector<1x16xf32>,
    }
    %scan3A_4 = arith.constant 512 : i32
    %scan3A_5 = arith.constant 0 : i32
    %scan3A_6 = arith.constant 0 : i32
    %scan3A_7 = arith.constant 10 : i32
    %scan3A_8 = arith.addi %scan3A_6, %scan3A_7 : i32
    %scan3A_9 = arith.constant 1 : i32
    scf.for %scan3A_23 = %scan3A_6 to %scan3A_8 step %scan3A_9  : i32 {
      %mul3A_24 = arith.constant 640 : i32
      %mul3A_25 = arith.muli %arg1, %mul3A_24 : i32
      %mul3A_26 = arith.constant 64 : i32
      %mul3A_27 = arith.muli %scan3A_23, %mul3A_26 : i32
      %add3A = arith.addi %mul3A_25, %mul3A_27 : i32
      "tpu.region"() ({
        %run_scoped3A = tpu.sem_alloc : memref<!tpu.dma_semaphore, #tpu.memory_space<semaphore_mem>>
        %dma_start3A = arith.constant 0 : i32
        %dma_start3A_28 = tpu.memref_slice %arg12[%add3A, %dma_start3A] : memref<10240x128xf32, #tpu.memory_space<vmem_shared>> -> memref<64x128xf32, #tpu.memory_space<vmem_shared>>
        %dma_start3A_29 = arith.constant 0 : i32
        %dma_start3A_30 = tpu.memref_slice %arg12[%add3A, %dma_start3A_29] : memref<10240x128xf32, #tpu.memory_space<vmem_shared>> -> memref<64x128xf32, #tpu.memory_space<vmem_shared>>
        tpu.enqueue_dma source(%arg11 : memref<64x128xf32, #tpu.memory_space<vmem>>) target(%dma_start3A_30 : memref<64x128xf32, #tpu.memory_space<vmem_shared>>) target_semaphore(%run_scoped3A : memref<!tpu.dma_semaphore, #tpu.memory_space<semaphore_mem>>)
        %dma_wait3A = arith.constant 0 : i32
        %dma_wait3A_31 = tpu.memref_slice %arg12[%add3A, %dma_wait3A] : memref<10240x128xf32, #tpu.memory_space<vmem_shared>> -> memref<64x128xf32, #tpu.memory_space<vmem_shared>>
        %dma_wait3A_32 = arith.constant 0 : i32
        %dma_wait3A_33 = tpu.memref_slice %arg12[%add3A, %dma_wait3A_32] : memref<10240x128xf32, #tpu.memory_space<vmem_shared>> -> memref<64x128xf32, #tpu.memory_space<vmem_shared>>
        tpu.wait_dma2 semaphore(%run_scoped3A : memref<!tpu.dma_semaphore, #tpu.memory_space<semaphore_mem>>) src(%arg11 : memref<64x128xf32, #tpu.memory_space<vmem>>) dst(%dma_wait3A_33 : memref<64x128xf32, #tpu.memory_space<vmem_shared>>)
        tpu.yield
      }) : () -> ()
    }
    %scan3A_10 = arith.constant 10 : i32
    %mul3A = arith.constant 160 : i32
    %mul3A_11 = arith.muli %arg1, %mul3A : i32
    "tpu.region"() ({
      %run_scoped3A = tpu.sem_alloc : memref<!tpu.dma_semaphore, #tpu.memory_space<semaphore_mem>>
      %dma_start3A = arith.constant 0 : i32
      %dma_start3A_23 = tpu.memref_slice %arg3[%mul3A_11, %dma_start3A] : memref<2560x128xi32, #tpu.memory_space<hbm>> -> memref<160x128xi32, #tpu.memory_space<hbm>>
      %dma_start3A_24 = arith.constant 0 : i32
      %dma_start3A_25 = tpu.memref_slice %arg3[%mul3A_11, %dma_start3A_24] : memref<2560x128xi32, #tpu.memory_space<hbm>> -> memref<160x128xi32, #tpu.memory_space<hbm>>
      tpu.enqueue_dma source(%dma_start3A_25 : memref<160x128xi32, #tpu.memory_space<hbm>>) target(%arg5 : memref<160x128xi32, #tpu.memory_space<vmem>>) target_semaphore(%run_scoped3A : memref<!tpu.dma_semaphore, #tpu.memory_space<semaphore_mem>>)
      %dma_wait3A = arith.constant 0 : i32
      %dma_wait3A_26 = tpu.memref_slice %arg3[%mul3A_11, %dma_wait3A] : memref<2560x128xi32, #tpu.memory_space<hbm>> -> memref<160x128xi32, #tpu.memory_space<hbm>>
      %dma_wait3A_27 = arith.constant 0 : i32
      %dma_wait3A_28 = tpu.memref_slice %arg3[%mul3A_11, %dma_wait3A_27] : memref<2560x128xi32, #tpu.memory_space<hbm>> -> memref<160x128xi32, #tpu.memory_space<hbm>>
      tpu.wait_dma2 semaphore(%run_scoped3A : memref<!tpu.dma_semaphore, #tpu.memory_space<semaphore_mem>>) src(%dma_wait3A_28 : memref<160x128xi32, #tpu.memory_space<hbm>>) dst(%arg5 : memref<160x128xi32, #tpu.memory_space<vmem>>)
      tpu.yield
    }) : () -> ()
    %barrier3A = arith.constant 0 : index
    tpu.barrier barrier_id(%barrier3A)
    %iota3A = tpu.iota {dimensions = array<i32: 0>} : vector<16xi32>
    %scan3A_12 = arith.constant 0 : i32
    %scan3A_13 = arith.constant 0 : i32
    %scan3A_14 = arith.constant 160 : i32
    %scan3A_15 = arith.addi %scan3A_13, %scan3A_14 : i32
    %scan3A_16 = arith.constant 1 : i32
    scf.for %scan3A_23 = %scan3A_13 to %scan3A_15 step %scan3A_16  : i32 {
      %mul3A_24 = arith.constant 160 : i32
      %mul3A_25 = arith.muli %arg1, %mul3A_24 : i32
      %add3A = arith.addi %mul3A_25, %scan3A_23 : i32
      %mul3A_26 = arith.constant 128 : i32
      %mul3A_27 = arith.muli %add3A, %mul3A_26 : i32
      %add3A_28 = arith.constant 20480 : i32
      %add3A_29 = arith.addi %add3A_28, %mul3A_27 : i32
      %get3A = arith.index_cast %scan3A_23 : i32 to index
      %get3A_30 = arith.constant 0 : index
      %get3A_31 = tpu.vector_load %arg5[%get3A, %get3A_30] {strides = array<i32>} : memref<160x128xi32, #tpu.memory_space<vmem>>, vector<1x16xi32>,
      %get3A_32 = vector.shape_cast %get3A_31 : vector<1x16xi32> to vector<16xi32>
      %and3A = arith.constant 16383 : i32
      %and3A_33 = vector.broadcast %and3A : i32 to vector<16xi32>
      %and3A_34 = arith.andi %get3A_32, %and3A_33 : vector<16xi32>
      %shift_right_logical3A = arith.constant 14 : i32
      %shift_right_logical3A_35 = vector.broadcast %shift_right_logical3A : i32 to vector<16xi32>
      %shift_right_logical3A_36 = arith.shrui %get3A_32, %shift_right_logical3A_35 : vector<16xi32>
      %swap3A = arith.constant 0 : index
      %swap3A_37 = tpu.vector_load %arg9[%swap3A] {strides = array<i32>} : memref<128xi32, #tpu.memory_space<vmem>>, vector<16xi32>,
      %swap3A_38 = vector.shape_cast %swap3A_37 : vector<16xi32> to vector<16xi32>
      %swap3A_39 = vector.shape_cast %and3A_34 : vector<16xi32> to vector<16xi32>
      tpu.vector_store %arg9[%swap3A], %swap3A_39 {strides = array<i32>} : memref<128xi32, #tpu.memory_space<vmem>>, vector<16xi32>,
      %swap3A_40 = arith.constant 0 : index
      %swap3A_41 = tpu.vector_load %arg6[%swap3A_40] {strides = array<i32>} : memref<128xi32, #tpu.memory_space<vmem>>, vector<16xi32>,
      %swap3A_42 = vector.shape_cast %swap3A_41 : vector<16xi32> to vector<16xi32>
      %swap3A_43 = vector.shape_cast %shift_right_logical3A_36 : vector<16xi32> to vector<16xi32>
      tpu.vector_store %arg6[%swap3A_40], %swap3A_43 {strides = array<i32>} : memref<128xi32, #tpu.memory_space<vmem>>, vector<16xi32>,
      %add3A_44 = arith.constant 10240 : i32
      %add3A_45 = vector.broadcast %add3A_44 : i32 to vector<16xi32>
      %add3A_46 = arith.addi %and3A_34, %add3A_45 : vector<16xi32>
      %swap3A_47 = arith.constant 0 : index
      %swap3A_48 = tpu.vector_load %arg7[%swap3A_47] {strides = array<i32>} : memref<128xi32, #tpu.memory_space<vmem>>, vector<16xi32>,
      %swap3A_49 = vector.shape_cast %swap3A_48 : vector<16xi32> to vector<16xi32>
      %swap3A_50 = vector.shape_cast %add3A_46 : vector<16xi32> to vector<16xi32>
      tpu.vector_store %arg7[%swap3A_47], %swap3A_50 {strides = array<i32>} : memref<128xi32, #tpu.memory_space<vmem>>, vector<16xi32>,
      %add3A_51 = arith.constant 0 : i32
      %add3A_52 = arith.addi %add3A_29, %add3A_51 : i32
      %add3A_53 = vector.broadcast %add3A_52 : i32 to vector<16xi32>
      %add3A_54 = arith.addi %iota3A, %add3A_53 : vector<16xi32>
      %swap3A_55 = arith.constant 0 : index
      %swap3A_56 = tpu.vector_load %arg8[%swap3A_55] {strides = array<i32>} : memref<128xi32, #tpu.memory_space<vmem>>, vector<16xi32>,
      %swap3A_57 = vector.shape_cast %swap3A_56 : vector<16xi32> to vector<16xi32>
      %swap3A_58 = vector.shape_cast %add3A_54 : vector<16xi32> to vector<16xi32>
      tpu.vector_store %arg8[%swap3A_55], %swap3A_58 {strides = array<i32>} : memref<128xi32, #tpu.memory_space<vmem>>, vector<16xi32>,
      %get3A_59 = arith.index_cast %scan3A_23 : i32 to index
      %get3A_60 = arith.constant 16 : index
      %get3A_61 = tpu.vector_load %arg5[%get3A_59, %get3A_60] {strides = array<i32>} : memref<160x128xi32, #tpu.memory_space<vmem>>, vector<1x16xi32>,
      %get3A_62 = vector.shape_cast %get3A_61 : vector<1x16xi32> to vector<16xi32>
      %and3A_63 = arith.constant 16383 : i32
      %and3A_64 = vector.broadcast %and3A_63 : i32 to vector<16xi32>
      %and3A_65 = arith.andi %get3A_62, %and3A_64 : vector<16xi32>
      %shift_right_logical3A_66 = arith.constant 14 : i32
      %shift_right_logical3A_67 = vector.broadcast %shift_right_logical3A_66 : i32 to vector<16xi32>
      %shift_right_logical3A_68 = arith.shrui %get3A_62, %shift_right_logical3A_67 : vector<16xi32>
      %swap3A_69 = arith.constant 16 : index
      %swap3A_70 = tpu.vector_load %arg9[%swap3A_69] {strides = array<i32>} : memref<128xi32, #tpu.memory_space<vmem>>, vector<16xi32>,
      %swap3A_71 = vector.shape_cast %swap3A_70 : vector<16xi32> to vector<16xi32>
      %swap3A_72 = vector.shape_cast %and3A_65 : vector<16xi32> to vector<16xi32>
      tpu.vector_store %arg9[%swap3A_69], %swap3A_72 {strides = array<i32>} : memref<128xi32, #tpu.memory_space<vmem>>, vector<16xi32>,
      %swap3A_73 = arith.constant 16 : index
      %swap3A_74 = tpu.vector_load %arg6[%swap3A_73] {strides = array<i32>} : memref<128xi32, #tpu.memory_space<vmem>>, vector<16xi32>,
      %swap3A_75 = vector.shape_cast %swap3A_74 : vector<16xi32> to vector<16xi32>
      %swap3A_76 = vector.shape_cast %shift_right_logical3A_68 : vector<16xi32> to vector<16xi32>
      tpu.vector_store %arg6[%swap3A_73], %swap3A_76 {strides = array<i32>} : memref<128xi32, #tpu.memory_space<vmem>>, vector<16xi32>,
      %add3A_77 = arith.constant 10240 : i32
      %add3A_78 = vector.broadcast %add3A_77 : i32 to vector<16xi32>
      %add3A_79 = arith.addi %and3A_65, %add3A_78 : vector<16xi32>
      %swap3A_80 = arith.constant 16 : index
      %swap3A_81 = tpu.vector_load %arg7[%swap3A_80] {strides = array<i32>} : memref<128xi32, #tpu.memory_space<vmem>>, vector<16xi32>,
      %swap3A_82 = vector.shape_cast %swap3A_81 : vector<16xi32> to vector<16xi32>
      %swap3A_83 = vector.shape_cast %add3A_79 : vector<16xi32> to vector<16xi32>
      tpu.vector_store %arg7[%swap3A_80], %swap3A_83 {strides = array<i32>} : memref<128xi32, #tpu.memory_space<vmem>>, vector<16xi32>,
      %add3A_84 = arith.constant 16 : i32
      %add3A_85 = arith.addi %add3A_29, %add3A_84 : i32
      %add3A_86 = vector.broadcast %add3A_85 : i32 to vector<16xi32>
      %add3A_87 = arith.addi %iota3A, %add3A_86 : vector<16xi32>
      %swap3A_88 = arith.constant 16 : index
      %swap3A_89 = tpu.vector_load %arg8[%swap3A_88] {strides = array<i32>} : memref<128xi32, #tpu.memory_space<vmem>>, vector<16xi32>,
      %swap3A_90 = vector.shape_cast %swap3A_89 : vector<16xi32> to vector<16xi32>
      %swap3A_91 = vector.shape_cast %add3A_87 : vector<16xi32> to vector<16xi32>
      tpu.vector_store %arg8[%swap3A_88], %swap3A_91 {strides = array<i32>} : memref<128xi32, #tpu.memory_space<vmem>>, vector<16xi32>,
      %get3A_92 = arith.index_cast %scan3A_23 : i32 to index
      %get3A_93 = arith.constant 32 : index
      %get3A_94 = tpu.vector_load %arg5[%get3A_92, %get3A_93] {strides = array<i32>} : memref<160x128xi32, #tpu.memory_space<vmem>>, vector<1x16xi32>,
      %get3A_95 = vector.shape_cast %get3A_94 : vector<1x16xi32> to vector<16xi32>
      %and3A_96 = arith.constant 16383 : i32
      %and3A_97 = vector.broadcast %and3A_96 : i32 to vector<16xi32>
      %and3A_98 = arith.andi %get3A_95, %and3A_97 : vector<16xi32>
      %shift_right_logical3A_99 = arith.constant 14 : i32
      %shift_right_logical3A_100 = vector.broadcast %shift_right_logical3A_99 : i32 to vector<16xi32>
      %shift_right_logical3A_101 = arith.shrui %get3A_95, %shift_right_logical3A_100 : vector<16xi32>
      %swap3A_102 = arith.constant 32 : index
      %swap3A_103 = tpu.vector_load %arg9[%swap3A_102] {strides = array<i32>} : memref<128xi32, #tpu.memory_space<vmem>>, vector<16xi32>,
      %swap3A_104 = vector.shape_cast %swap3A_103 : vector<16xi32> to vector<16xi32>
      %swap3A_105 = vector.shape_cast %and3A_98 : vector<16xi32> to vector<16xi32>
      tpu.vector_store %arg9[%swap3A_102], %swap3A_105 {strides = array<i32>} : memref<128xi32, #tpu.memory_space<vmem>>, vector<16xi32>,
      %swap3A_106 = arith.constant 32 : index
      %swap3A_107 = tpu.vector_load %arg6[%swap3A_106] {strides = array<i32>} : memref<128xi32, #tpu.memory_space<vmem>>, vector<16xi32>,
      %swap3A_108 = vector.shape_cast %swap3A_107 : vector<16xi32> to vector<16xi32>
      %swap3A_109 = vector.shape_cast %shift_right_logical3A_101 : vector<16xi32> to vector<16xi32>
      tpu.vector_store %arg6[%swap3A_106], %swap3A_109 {strides = array<i32>} : memref<128xi32, #tpu.memory_space<vmem>>, vector<16xi32>,
      %add3A_110 = arith.constant 10240 : i32
      %add3A_111 = vector.broadcast %add3A_110 : i32 to vector<16xi32>
      %add3A_112 = arith.addi %and3A_98, %add3A_111 : vector<16xi32>
      %swap3A_113 = arith.constant 32 : index
      %swap3A_114 = tpu.vector_load %arg7[%swap3A_113] {strides = array<i32>} : memref<128xi32, #tpu.memory_space<vmem>>, vector<16xi32>,
      %swap3A_115 = vector.shape_cast %swap3A_114 : vector<16xi32> to vector<16xi32>
      %swap3A_116 = vector.shape_cast %add3A_112 : vector<16xi32> to vector<16xi32>
      tpu.vector_store %arg7[%swap3A_113], %swap3A_116 {strides = array<i32>} : memref<128xi32, #tpu.memory_space<vmem>>, vector<16xi32>,
      %add3A_117 = arith.constant 32 : i32
      %add3A_118 = arith.addi %add3A_29, %add3A_117 : i32
      %add3A_119 = vector.broadcast %add3A_118 : i32 to vector<16xi32>
      %add3A_120 = arith.addi %iota3A, %add3A_119 : vector<16xi32>
      %swap3A_121 = arith.constant 32 : index
      %swap3A_122 = tpu.vector_load %arg8[%swap3A_121] {strides = array<i32>} : memref<128xi32, #tpu.memory_space<vmem>>, vector<16xi32>,
      %swap3A_123 = vector.shape_cast %swap3A_122 : vector<16xi32> to vector<16xi32>
      %swap3A_124 = vector.shape_cast %add3A_120 : vector<16xi32> to vector<16xi32>
      tpu.vector_store %arg8[%swap3A_121], %swap3A_124 {strides = array<i32>} : memref<128xi32, #tpu.memory_space<vmem>>, vector<16xi32>,
      %get3A_125 = arith.index_cast %scan3A_23 : i32 to index
      %get3A_126 = arith.constant 48 : index
      %get3A_127 = tpu.vector_load %arg5[%get3A_125, %get3A_126] {strides = array<i32>} : memref<160x128xi32, #tpu.memory_space<vmem>>, vector<1x16xi32>,
      %get3A_128 = vector.shape_cast %get3A_127 : vector<1x16xi32> to vector<16xi32>
      %and3A_129 = arith.constant 16383 : i32
      %and3A_130 = vector.broadcast %and3A_129 : i32 to vector<16xi32>
      %and3A_131 = arith.andi %get3A_128, %and3A_130 : vector<16xi32>
      %shift_right_logical3A_132 = arith.constant 14 : i32
      %shift_right_logical3A_133 = vector.broadcast %shift_right_logical3A_132 : i32 to vector<16xi32>
      %shift_right_logical3A_134 = arith.shrui %get3A_128, %shift_right_logical3A_133 : vector<16xi32>
      %swap3A_135 = arith.constant 48 : index
      %swap3A_136 = tpu.vector_load %arg9[%swap3A_135] {strides = array<i32>} : memref<128xi32, #tpu.memory_space<vmem>>, vector<16xi32>,
      %swap3A_137 = vector.shape_cast %swap3A_136 : vector<16xi32> to vector<16xi32>
      %swap3A_138 = vector.shape_cast %and3A_131 : vector<16xi32> to vector<16xi32>
      tpu.vector_store %arg9[%swap3A_135], %swap3A_138 {strides = array<i32>} : memref<128xi32, #tpu.memory_space<vmem>>, vector<16xi32>,
      %swap3A_139 = arith.constant 48 : index
      %swap3A_140 = tpu.vector_load %arg6[%swap3A_139] {strides = array<i32>} : memref<128xi32, #tpu.memory_space<vmem>>, vector<16xi32>,
      %swap3A_141 = vector.shape_cast %swap3A_140 : vector<16xi32> to vector<16xi32>
      %swap3A_142 = vector.shape_cast %shift_right_logical3A_134 : vector<16xi32> to vector<16xi32>
      tpu.vector_store %arg6[%swap3A_139], %swap3A_142 {strides = array<i32>} : memref<128xi32, #tpu.memory_space<vmem>>, vector<16xi32>,
      %add3A_143 = arith.constant 10240 : i32
      %add3A_144 = vector.broadcast %add3A_143 : i32 to vector<16xi32>
      %add3A_145 = arith.addi %and3A_131, %add3A_144 : vector<16xi32>
      %swap3A_146 = arith.constant 48 : index
      %swap3A_147 = tpu.vector_load %arg7[%swap3A_146] {strides = array<i32>} : memref<128xi32, #tpu.memory_space<vmem>>, vector<16xi32>,
      %swap3A_148 = vector.shape_cast %swap3A_147 : vector<16xi32> to vector<16xi32>
      %swap3A_149 = vector.shape_cast %add3A_145 : vector<16xi32> to vector<16xi32>
      tpu.vector_store %arg7[%swap3A_146], %swap3A_149 {strides = array<i32>} : memref<128xi32, #tpu.memory_space<vmem>>, vector<16xi32>,
      %add3A_150 = arith.constant 48 : i32
      %add3A_151 = arith.addi %add3A_29, %add3A_150 : i32
      %add3A_152 = vector.broadcast %add3A_151 : i32 to vector<16xi32>
      %add3A_153 = arith.addi %iota3A, %add3A_152 : vector<16xi32>
      %swap3A_154 = arith.constant 48 : index
      %swap3A_155 = tpu.vector_load %arg8[%swap3A_154] {strides = array<i32>} : memref<128xi32, #tpu.memory_space<vmem>>, vector<16xi32>,
      %swap3A_156 = vector.shape_cast %swap3A_155 : vector<16xi32> to vector<16xi32>
      %swap3A_157 = vector.shape_cast %add3A_153 : vector<16xi32> to vector<16xi32>
      tpu.vector_store %arg8[%swap3A_154], %swap3A_157 {strides = array<i32>} : memref<128xi32, #tpu.memory_space<vmem>>, vector<16xi32>,
      %get3A_158 = arith.index_cast %scan3A_23 : i32 to index
      %get3A_159 = arith.constant 64 : index
      %get3A_160 = tpu.vector_load %arg5[%get3A_158, %get3A_159] {strides = array<i32>} : memref<160x128xi32, #tpu.memory_space<vmem>>, vector<1x16xi32>,
      %get3A_161 = vector.shape_cast %get3A_160 : vector<1x16xi32> to vector<16xi32>
      %and3A_162 = arith.constant 16383 : i32
      %and3A_163 = vector.broadcast %and3A_162 : i32 to vector<16xi32>
      %and3A_164 = arith.andi %get3A_161, %and3A_163 : vector<16xi32>
      %shift_right_logical3A_165 = arith.constant 14 : i32
      %shift_right_logical3A_166 = vector.broadcast %shift_right_logical3A_165 : i32 to vector<16xi32>
      %shift_right_logical3A_167 = arith.shrui %get3A_161, %shift_right_logical3A_166 : vector<16xi32>
      %swap3A_168 = arith.constant 64 : index
      %swap3A_169 = tpu.vector_load %arg9[%swap3A_168] {strides = array<i32>} : memref<128xi32, #tpu.memory_space<vmem>>, vector<16xi32>,
      %swap3A_170 = vector.shape_cast %swap3A_169 : vector<16xi32> to vector<16xi32>
      %swap3A_171 = vector.shape_cast %and3A_164 : vector<16xi32> to vector<16xi32>
      tpu.vector_store %arg9[%swap3A_168], %swap3A_171 {strides = array<i32>} : memref<128xi32, #tpu.memory_space<vmem>>, vector<16xi32>,
      %swap3A_172 = arith.constant 64 : index
      %swap3A_173 = tpu.vector_load %arg6[%swap3A_172] {strides = array<i32>} : memref<128xi32, #tpu.memory_space<vmem>>, vector<16xi32>,
      %swap3A_174 = vector.shape_cast %swap3A_173 : vector<16xi32> to vector<16xi32>
      %swap3A_175 = vector.shape_cast %shift_right_logical3A_167 : vector<16xi32> to vector<16xi32>
      tpu.vector_store %arg6[%swap3A_172], %swap3A_175 {strides = array<i32>} : memref<128xi32, #tpu.memory_space<vmem>>, vector<16xi32>,
      %add3A_176 = arith.constant 10240 : i32
      %add3A_177 = vector.broadcast %add3A_176 : i32 to vector<16xi32>
      %add3A_178 = arith.addi %and3A_164, %add3A_177 : vector<16xi32>
      %swap3A_179 = arith.constant 64 : index
      %swap3A_180 = tpu.vector_load %arg7[%swap3A_179] {strides = array<i32>} : memref<128xi32, #tpu.memory_space<vmem>>, vector<16xi32>,
      %swap3A_181 = vector.shape_cast %swap3A_180 : vector<16xi32> to vector<16xi32>
      %swap3A_182 = vector.shape_cast %add3A_178 : vector<16xi32> to vector<16xi32>
      tpu.vector_store %arg7[%swap3A_179], %swap3A_182 {strides = array<i32>} : memref<128xi32, #tpu.memory_space<vmem>>, vector<16xi32>,
      %add3A_183 = arith.constant 64 : i32
      %add3A_184 = arith.addi %add3A_29, %add3A_183 : i32
      %add3A_185 = vector.broadcast %add3A_184 : i32 to vector<16xi32>
      %add3A_186 = arith.addi %iota3A, %add3A_185 : vector<16xi32>
      %swap3A_187 = arith.constant 64 : index
      %swap3A_188 = tpu.vector_load %arg8[%swap3A_187] {strides = array<i32>} : memref<128xi32, #tpu.memory_space<vmem>>, vector<16xi32>,
      %swap3A_189 = vector.shape_cast %swap3A_188 : vector<16xi32> to vector<16xi32>
      %swap3A_190 = vector.shape_cast %add3A_186 : vector<16xi32> to vector<16xi32>
      tpu.vector_store %arg8[%swap3A_187], %swap3A_190 {strides = array<i32>} : memref<128xi32, #tpu.memory_space<vmem>>, vector<16xi32>,
      %get3A_191 = arith.index_cast %scan3A_23 : i32 to index
      %get3A_192 = arith.constant 80 : index
      %get3A_193 = tpu.vector_load %arg5[%get3A_191, %get3A_192] {strides = array<i32>} : memref<160x128xi32, #tpu.memory_space<vmem>>, vector<1x16xi32>,
      %get3A_194 = vector.shape_cast %get3A_193 : vector<1x16xi32> to vector<16xi32>
      %and3A_195 = arith.constant 16383 : i32
      %and3A_196 = vector.broadcast %and3A_195 : i32 to vector<16xi32>
      %and3A_197 = arith.andi %get3A_194, %and3A_196 : vector<16xi32>
      %shift_right_logical3A_198 = arith.constant 14 : i32
      %shift_right_logical3A_199 = vector.broadcast %shift_right_logical3A_198 : i32 to vector<16xi32>
      %shift_right_logical3A_200 = arith.shrui %get3A_194, %shift_right_logical3A_199 : vector<16xi32>
      %swap3A_201 = arith.constant 80 : index
      %swap3A_202 = tpu.vector_load %arg9[%swap3A_201] {strides = array<i32>} : memref<128xi32, #tpu.memory_space<vmem>>, vector<16xi32>,
      %swap3A_203 = vector.shape_cast %swap3A_202 : vector<16xi32> to vector<16xi32>
      %swap3A_204 = vector.shape_cast %and3A_197 : vector<16xi32> to vector<16xi32>
      tpu.vector_store %arg9[%swap3A_201], %swap3A_204 {strides = array<i32>} : memref<128xi32, #tpu.memory_space<vmem>>, vector<16xi32>,
      %swap3A_205 = arith.constant 80 : index
      %swap3A_206 = tpu.vector_load %arg6[%swap3A_205] {strides = array<i32>} : memref<128xi32, #tpu.memory_space<vmem>>, vector<16xi32>,
      %swap3A_207 = vector.shape_cast %swap3A_206 : vector<16xi32> to vector<16xi32>
      %swap3A_208 = vector.shape_cast %shift_right_logical3A_200 : vector<16xi32> to vector<16xi32>
      tpu.vector_store %arg6[%swap3A_205], %swap3A_208 {strides = array<i32>} : memref<128xi32, #tpu.memory_space<vmem>>, vector<16xi32>,
      %add3A_209 = arith.constant 10240 : i32
      %add3A_210 = vector.broadcast %add3A_209 : i32 to vector<16xi32>
      %add3A_211 = arith.addi %and3A_197, %add3A_210 : vector<16xi32>
      %swap3A_212 = arith.constant 80 : index
      %swap3A_213 = tpu.vector_load %arg7[%swap3A_212] {strides = array<i32>} : memref<128xi32, #tpu.memory_space<vmem>>, vector<16xi32>,
      %swap3A_214 = vector.shape_cast %swap3A_213 : vector<16xi32> to vector<16xi32>
      %swap3A_215 = vector.shape_cast %add3A_211 : vector<16xi32> to vector<16xi32>
      tpu.vector_store %arg7[%swap3A_212], %swap3A_215 {strides = array<i32>} : memref<128xi32, #tpu.memory_space<vmem>>, vector<16xi32>,
      %add3A_216 = arith.constant 80 : i32
      %add3A_217 = arith.addi %add3A_29, %add3A_216 : i32
      %add3A_218 = vector.broadcast %add3A_217 : i32 to vector<16xi32>
      %add3A_219 = arith.addi %iota3A, %add3A_218 : vector<16xi32>
      %swap3A_220 = arith.constant 80 : index
      %swap3A_221 = tpu.vector_load %arg8[%swap3A_220] {strides = array<i32>} : memref<128xi32, #tpu.memory_space<vmem>>, vector<16xi32>,
      %swap3A_222 = vector.shape_cast %swap3A_221 : vector<16xi32> to vector<16xi32>
      %swap3A_223 = vector.shape_cast %add3A_219 : vector<16xi32> to vector<16xi32>
      tpu.vector_store %arg8[%swap3A_220], %swap3A_223 {strides = array<i32>} : memref<128xi32, #tpu.memory_space<vmem>>, vector<16xi32>,
      %get3A_224 = arith.index_cast %scan3A_23 : i32 to index
      %get3A_225 = arith.constant 96 : index
      %get3A_226 = tpu.vector_load %arg5[%get3A_224, %get3A_225] {strides = array<i32>} : memref<160x128xi32, #tpu.memory_space<vmem>>, vector<1x16xi32>,
      %get3A_227 = vector.shape_cast %get3A_226 : vector<1x16xi32> to vector<16xi32>
      %and3A_228 = arith.constant 16383 : i32
      %and3A_229 = vector.broadcast %and3A_228 : i32 to vector<16xi32>
      %and3A_230 = arith.andi %get3A_227, %and3A_229 : vector<16xi32>
      %shift_right_logical3A_231 = arith.constant 14 : i32
      %shift_right_logical3A_232 = vector.broadcast %shift_right_logical3A_231 : i32 to vector<16xi32>
      %shift_right_logical3A_233 = arith.shrui %get3A_227, %shift_right_logical3A_232 : vector<16xi32>
      %swap3A_234 = arith.constant 96 : index
      %swap3A_235 = tpu.vector_load %arg9[%swap3A_234] {strides = array<i32>} : memref<128xi32, #tpu.memory_space<vmem>>, vector<16xi32>,
      %swap3A_236 = vector.shape_cast %swap3A_235 : vector<16xi32> to vector<16xi32>
      %swap3A_237 = vector.shape_cast %and3A_230 : vector<16xi32> to vector<16xi32>
      tpu.vector_store %arg9[%swap3A_234], %swap3A_237 {strides = array<i32>} : memref<128xi32, #tpu.memory_space<vmem>>, vector<16xi32>,
      %swap3A_238 = arith.constant 96 : index
      %swap3A_239 = tpu.vector_load %arg6[%swap3A_238] {strides = array<i32>} : memref<128xi32, #tpu.memory_space<vmem>>, vector<16xi32>,
      %swap3A_240 = vector.shape_cast %swap3A_239 : vector<16xi32> to vector<16xi32>
      %swap3A_241 = vector.shape_cast %shift_right_logical3A_233 : vector<16xi32> to vector<16xi32>
      tpu.vector_store %arg6[%swap3A_238], %swap3A_241 {strides = array<i32>} : memref<128xi32, #tpu.memory_space<vmem>>, vector<16xi32>,
      %add3A_242 = arith.constant 10240 : i32
      %add3A_243 = vector.broadcast %add3A_242 : i32 to vector<16xi32>
      %add3A_244 = arith.addi %and3A_230, %add3A_243 : vector<16xi32>
      %swap3A_245 = arith.constant 96 : index
      %swap3A_246 = tpu.vector_load %arg7[%swap3A_245] {strides = array<i32>} : memref<128xi32, #tpu.memory_space<vmem>>, vector<16xi32>,
      %swap3A_247 = vector.shape_cast %swap3A_246 : vector<16xi32> to vector<16xi32>
      %swap3A_248 = vector.shape_cast %add3A_244 : vector<16xi32> to vector<16xi32>
      tpu.vector_store %arg7[%swap3A_245], %swap3A_248 {strides = array<i32>} : memref<128xi32, #tpu.memory_space<vmem>>, vector<16xi32>,
      %add3A_249 = arith.constant 96 : i32
      %add3A_250 = arith.addi %add3A_29, %add3A_249 : i32
      %add3A_251 = vector.broadcast %add3A_250 : i32 to vector<16xi32>
      %add3A_252 = arith.addi %iota3A, %add3A_251 : vector<16xi32>
      %swap3A_253 = arith.constant 96 : index
      %swap3A_254 = tpu.vector_load %arg8[%swap3A_253] {strides = array<i32>} : memref<128xi32, #tpu.memory_space<vmem>>, vector<16xi32>,
      %swap3A_255 = vector.shape_cast %swap3A_254 : vector<16xi32> to vector<16xi32>
      %swap3A_256 = vector.shape_cast %add3A_252 : vector<16xi32> to vector<16xi32>
      tpu.vector_store %arg8[%swap3A_253], %swap3A_256 {strides = array<i32>} : memref<128xi32, #tpu.memory_space<vmem>>, vector<16xi32>,
      %get3A_257 = arith.index_cast %scan3A_23 : i32 to index
      %get3A_258 = arith.constant 112 : index
      %get3A_259 = tpu.vector_load %arg5[%get3A_257, %get3A_258] {strides = array<i32>} : memref<160x128xi32, #tpu.memory_space<vmem>>, vector<1x16xi32>,
      %get3A_260 = vector.shape_cast %get3A_259 : vector<1x16xi32> to vector<16xi32>
      %and3A_261 = arith.constant 16383 : i32
      %and3A_262 = vector.broadcast %and3A_261 : i32 to vector<16xi32>
      %and3A_263 = arith.andi %get3A_260, %and3A_262 : vector<16xi32>
      %shift_right_logical3A_264 = arith.constant 14 : i32
      %shift_right_logical3A_265 = vector.broadcast %shift_right_logical3A_264 : i32 to vector<16xi32>
      %shift_right_logical3A_266 = arith.shrui %get3A_260, %shift_right_logical3A_265 : vector<16xi32>
      %swap3A_267 = arith.constant 112 : index
      %swap3A_268 = tpu.vector_load %arg9[%swap3A_267] {strides = array<i32>} : memref<128xi32, #tpu.memory_space<vmem>>, vector<16xi32>,
      %swap3A_269 = vector.shape_cast %swap3A_268 : vector<16xi32> to vector<16xi32>
      %swap3A_270 = vector.shape_cast %and3A_263 : vector<16xi32> to vector<16xi32>
      tpu.vector_store %arg9[%swap3A_267], %swap3A_270 {strides = array<i32>} : memref<128xi32, #tpu.memory_space<vmem>>, vector<16xi32>,
      %swap3A_271 = arith.constant 112 : index
      %swap3A_272 = tpu.vector_load %arg6[%swap3A_271] {strides = array<i32>} : memref<128xi32, #tpu.memory_space<vmem>>, vector<16xi32>,
      %swap3A_273 = vector.shape_cast %swap3A_272 : vector<16xi32> to vector<16xi32>
      %swap3A_274 = vector.shape_cast %shift_right_logical3A_266 : vector<16xi32> to vector<16xi32>
      tpu.vector_store %arg6[%swap3A_271], %swap3A_274 {strides = array<i32>} : memref<128xi32, #tpu.memory_space<vmem>>, vector<16xi32>,
      %add3A_275 = arith.constant 10240 : i32
      %add3A_276 = vector.broadcast %add3A_275 : i32 to vector<16xi32>
      %add3A_277 = arith.addi %and3A_263, %add3A_276 : vector<16xi32>
      %swap3A_278 = arith.constant 112 : index
      %swap3A_279 = tpu.vector_load %arg7[%swap3A_278] {strides = array<i32>} : memref<128xi32, #tpu.memory_space<vmem>>, vector<16xi32>,
      %swap3A_280 = vector.shape_cast %swap3A_279 : vector<16xi32> to vector<16xi32>
      %swap3A_281 = vector.shape_cast %add3A_277 : vector<16xi32> to vector<16xi32>
      tpu.vector_store %arg7[%swap3A_278], %swap3A_281 {strides = array<i32>} : memref<128xi32, #tpu.memory_space<vmem>>, vector<16xi32>,
      %add3A_282 = arith.constant 112 : i32
      %add3A_283 = arith.addi %add3A_29, %add3A_282 : i32
      %add3A_284 = vector.broadcast %add3A_283 : i32 to vector<16xi32>
      %add3A_285 = arith.addi %iota3A, %add3A_284 : vector<16xi32>
      %swap3A_286 = arith.constant 112 : index
      %swap3A_287 = tpu.vector_load %arg8[%swap3A_286] {strides = array<i32>} : memref<128xi32, #tpu.memory_space<vmem>>, vector<16xi32>,
      %swap3A_288 = vector.shape_cast %swap3A_287 : vector<16xi32> to vector<16xi32>
      %swap3A_289 = vector.shape_cast %add3A_285 : vector<16xi32> to vector<16xi32>
      tpu.vector_store %arg8[%swap3A_286], %swap3A_289 {strides = array<i32>} : memref<128xi32, #tpu.memory_space<vmem>>, vector<16xi32>,
      %dma_start3A = arith.constant 0 : i32
      %dma_start3A_290 = arith.constant 0 : i32
      %dma_start3A_291 = tpu.memref_slice %arg2[%dma_start3A, %dma_start3A_290] : memref<348160x128xf32, #tpu.memory_space<hbm>> -> memref<348160x128xf32, #tpu.memory_space<hbm>>
      tpu.enqueue_indirect_dma source(%dma_start3A_291 : memref<348160x128xf32, #tpu.memory_space<hbm>>) target(%arg10 : memref<128x128xf32, #tpu.memory_space<vmem>>) offsets(%arg6 : memref<128xi32, #tpu.memory_space<vmem>>) semaphore(%arg13 : memref<!tpu.dma_semaphore, #tpu.memory_space<semaphore_mem>>)
      %dma_wait3A = arith.constant 0 : i32
      %dma_wait3A_292 = arith.constant 0 : i32
      %dma_wait3A_293 = tpu.memref_slice %arg2[%dma_wait3A, %dma_wait3A_292] : memref<348160x128xf32, #tpu.memory_space<hbm>> -> memref<348160x128xf32, #tpu.memory_space<hbm>>
      tpu.wait_indirect_dma semaphore(%arg13 : memref<!tpu.dma_semaphore, #tpu.memory_space<semaphore_mem>>) src(%dma_wait3A_293 : memref<348160x128xf32, #tpu.memory_space<hbm>>) dst(%arg10 : memref<128x128xf32, #tpu.memory_space<vmem>>)
      "tpu.region"() ({
        %run_scoped3A = tpu.sem_alloc : memref<!tpu.dma_semaphore, #tpu.memory_space<semaphore_mem>>
        %dma_start3A_306 = arith.constant 0 : i32
        %dma_start3A_307 = arith.constant 0 : i32
        %dma_start3A_308 = tpu.memref_slice %arg12[%dma_start3A_306, %dma_start3A_307] : memref<10240x128xf32, #tpu.memory_space<vmem_shared>> -> memref<10240x128xf32, #tpu.memory_space<vmem_shared>>
        tpu.enqueue_indirect_dma source(%arg10 : memref<128x128xf32, #tpu.memory_space<vmem>>) target(%dma_start3A_308 : memref<10240x128xf32, #tpu.memory_space<vmem_shared>>) offsets(%arg9 : memref<128xi32, #tpu.memory_space<vmem>>) semaphore(%run_scoped3A : memref<!tpu.dma_semaphore, #tpu.memory_space<semaphore_mem>>) {add = true}
        %dma_wait3A_309 = arith.constant 0 : i32
        %dma_wait3A_310 = arith.constant 0 : i32
        %dma_wait3A_311 = tpu.memref_slice %arg12[%dma_wait3A_309, %dma_wait3A_310] : memref<10240x128xf32, #tpu.memory_space<vmem_shared>> -> memref<10240x128xf32, #tpu.memory_space<vmem_shared>>
        tpu.wait_indirect_dma semaphore(%run_scoped3A : memref<!tpu.dma_semaphore, #tpu.memory_space<semaphore_mem>>) src(%arg10 : memref<128x128xf32, #tpu.memory_space<vmem>>) dst(%dma_wait3A_311 : memref<10240x128xf32, #tpu.memory_space<vmem_shared>>)
        tpu.yield
      }) : () -> ()
      %dma_start3A_294 = arith.constant 0 : i32
      %dma_start3A_295 = arith.constant 0 : i32
      %dma_start3A_296 = tpu.memref_slice %arg2[%dma_start3A_294, %dma_start3A_295] : memref<348160x128xf32, #tpu.memory_space<hbm>> -> memref<348160x128xf32, #tpu.memory_space<hbm>>
      tpu.enqueue_indirect_dma source(%dma_start3A_296 : memref<348160x128xf32, #tpu.memory_space<hbm>>) target(%arg10 : memref<128x128xf32, #tpu.memory_space<vmem>>) offsets(%arg7 : memref<128xi32, #tpu.memory_space<vmem>>) semaphore(%arg13 : memref<!tpu.dma_semaphore, #tpu.memory_space<semaphore_mem>>)
      %dma_wait3A_297 = arith.constant 0 : i32
      %dma_wait3A_298 = arith.constant 0 : i32
      %dma_wait3A_299 = tpu.memref_slice %arg2[%dma_wait3A_297, %dma_wait3A_298] : memref<348160x128xf32, #tpu.memory_space<hbm>> -> memref<348160x128xf32, #tpu.memory_space<hbm>>
      tpu.wait_indirect_dma semaphore(%arg13 : memref<!tpu.dma_semaphore, #tpu.memory_space<semaphore_mem>>) src(%dma_wait3A_299 : memref<348160x128xf32, #tpu.memory_space<hbm>>) dst(%arg10 : memref<128x128xf32, #tpu.memory_space<vmem>>)
      "tpu.region"() ({
        %run_scoped3A = tpu.sem_alloc : memref<!tpu.dma_semaphore, #tpu.memory_space<semaphore_mem>>
        %dma_start3A_306 = arith.constant 0 : i32
        %dma_start3A_307 = arith.constant 0 : i32
        %dma_start3A_308 = tpu.memref_slice %arg12[%dma_start3A_306, %dma_start3A_307] : memref<10240x128xf32, #tpu.memory_space<vmem_shared>> -> memref<10240x128xf32, #tpu.memory_space<vmem_shared>>
        tpu.enqueue_indirect_dma source(%arg10 : memref<128x128xf32, #tpu.memory_space<vmem>>) target(%dma_start3A_308 : memref<10240x128xf32, #tpu.memory_space<vmem_shared>>) offsets(%arg9 : memref<128xi32, #tpu.memory_space<vmem>>) semaphore(%run_scoped3A : memref<!tpu.dma_semaphore, #tpu.memory_space<semaphore_mem>>) {add = true}
        %dma_wait3A_309 = arith.constant 0 : i32
        %dma_wait3A_310 = arith.constant 0 : i32
        %dma_wait3A_311 = tpu.memref_slice %arg12[%dma_wait3A_309, %dma_wait3A_310] : memref<10240x128xf32, #tpu.memory_space<vmem_shared>> -> memref<10240x128xf32, #tpu.memory_space<vmem_shared>>
        tpu.wait_indirect_dma semaphore(%run_scoped3A : memref<!tpu.dma_semaphore, #tpu.memory_space<semaphore_mem>>) src(%arg10 : memref<128x128xf32, #tpu.memory_space<vmem>>) dst(%dma_wait3A_311 : memref<10240x128xf32, #tpu.memory_space<vmem_shared>>)
        tpu.yield
      }) : () -> ()
      %dma_start3A_300 = arith.constant 0 : i32
      %dma_start3A_301 = arith.constant 0 : i32
      %dma_start3A_302 = tpu.memref_slice %arg2[%dma_start3A_300, %dma_start3A_301] : memref<348160x128xf32, #tpu.memory_space<hbm>> -> memref<348160x128xf32, #tpu.memory_space<hbm>>
      tpu.enqueue_indirect_dma source(%dma_start3A_302 : memref<348160x128xf32, #tpu.memory_space<hbm>>) target(%arg10 : memref<128x128xf32, #tpu.memory_space<vmem>>) offsets(%arg8 : memref<128xi32, #tpu.memory_space<vmem>>) semaphore(%arg13 : memref<!tpu.dma_semaphore, #tpu.memory_space<semaphore_mem>>)
      %dma_wait3A_303 = arith.constant 0 : i32
      %dma_wait3A_304 = arith.constant 0 : i32
      %dma_wait3A_305 = tpu.memref_slice %arg2[%dma_wait3A_303, %dma_wait3A_304] : memref<348160x128xf32, #tpu.memory_space<hbm>> -> memref<348160x128xf32, #tpu.memory_space<hbm>>
      tpu.wait_indirect_dma semaphore(%arg13 : memref<!tpu.dma_semaphore, #tpu.memory_space<semaphore_mem>>) src(%dma_wait3A_305 : memref<348160x128xf32, #tpu.memory_space<hbm>>) dst(%arg10 : memref<128x128xf32, #tpu.memory_space<vmem>>)
      "tpu.region"() ({
        %run_scoped3A = tpu.sem_alloc : memref<!tpu.dma_semaphore, #tpu.memory_space<semaphore_mem>>
        %dma_start3A_306 = arith.constant 0 : i32
        %dma_start3A_307 = arith.constant 0 : i32
        %dma_start3A_308 = tpu.memref_slice %arg12[%dma_start3A_306, %dma_start3A_307] : memref<10240x128xf32, #tpu.memory_space<vmem_shared>> -> memref<10240x128xf32, #tpu.memory_space<vmem_shared>>
        tpu.enqueue_indirect_dma source(%arg10 : memref<128x128xf32, #tpu.memory_space<vmem>>) target(%dma_start3A_308 : memref<10240x128xf32, #tpu.memory_space<vmem_shared>>) offsets(%arg9 : memref<128xi32, #tpu.memory_space<vmem>>) semaphore(%run_scoped3A : memref<!tpu.dma_semaphore, #tpu.memory_space<semaphore_mem>>) {add = true}
        %dma_wait3A_309 = arith.constant 0 : i32
        %dma_wait3A_310 = arith.constant 0 : i32
        %dma_wait3A_311 = tpu.memref_slice %arg12[%dma_wait3A_309, %dma_wait3A_310] : memref<10240x128xf32, #tpu.memory_space<vmem_shared>> -> memref<10240x128xf32, #tpu.memory_space<vmem_shared>>
        tpu.wait_indirect_dma semaphore(%run_scoped3A : memref<!tpu.dma_semaphore, #tpu.memory_space<semaphore_mem>>) src(%arg10 : memref<128x128xf32, #tpu.memory_space<vmem>>) dst(%dma_wait3A_311 : memref<10240x128xf32, #tpu.memory_space<vmem_shared>>)
        tpu.yield
      }) : () -> ()
    }
    %scan3A_17 = arith.constant 160 : i32
    %barrier3A_18 = arith.constant 0 : index
    tpu.barrier barrier_id(%barrier3A_18)
    %mul3A_19 = arith.constant 640 : i32
    %mul3A_20 = arith.muli %arg1, %mul3A_19 : i32
    %mul3A_21 = arith.constant 640 : i32
    %mul3A_22 = arith.muli %arg1, %mul3A_21 : i32
    "tpu.region"() ({
      %run_scoped3A = tpu.sem_alloc : memref<!tpu.dma_semaphore, #tpu.memory_space<semaphore_mem>>
      %dma_start3A = arith.constant 0 : i32
      %dma_start3A_23 = tpu.memref_slice %arg4[%mul3A_22, %dma_start3A] : memref<10240x128xf32, #tpu.memory_space<hbm>> -> memref<640x128xf32, #tpu.memory_space<hbm>>
      %dma_start3A_24 = arith.constant 0 : i32
      %dma_start3A_25 = tpu.memref_slice %arg12[%mul3A_20, %dma_start3A_24] : memref<10240x128xf32, #tpu.memory_space<vmem_shared>> -> memref<640x128xf32, #tpu.memory_space<vmem_shared>>
      tpu.enqueue_dma source(%dma_start3A_25 : memref<640x128xf32, #tpu.memory_space<vmem_shared>>) target(%dma_start3A_23 : memref<640x128xf32, #tpu.memory_space<hbm>>) target_semaphore(%run_scoped3A : memref<!tpu.dma_semaphore, #tpu.memory_space<semaphore_mem>>)
      %dma_wait3A = arith.constant 0 : i32
      %dma_wait3A_26 = tpu.memref_slice %arg4[%mul3A_22, %dma_wait3A] : memref<10240x128xf32, #tpu.memory_space<hbm>> -> memref<640x128xf32, #tpu.memory_space<hbm>>
      %dma_wait3A_27 = arith.constant 0 : i32
      %dma_wait3A_28 = tpu.memref_slice %arg12[%mul3A_20, %dma_wait3A_27] : memref<10240x128xf32, #tpu.memory_space<vmem_shared>> -> memref<640x128xf32, #tpu.memory_space<vmem_shared>>
      tpu.wait_dma2 semaphore(%run_scoped3A : memref<!tpu.dma_semaphore, #tpu.memory_space<semaphore_mem>>) src(%dma_wait3A_28 : memref<640x128xf32, #tpu.memory_space<vmem_shared>>) dst(%dma_wait3A_26 : memref<640x128xf32, #tpu.memory_space<hbm>>)
      tpu.yield
    }) : () -> ()
    return
  }
}

module attributes {stable_mosaic.version = 14 : i64} {
  func.func @body(%arg0: i32, %arg1: memref<80x128xf32, #tpu.memory_space<vmem>>, %arg2: memref<128x128xf32, #tpu.memory_space<vmem>>, %arg3: memref<1x128xf32, #tpu.memory_space<vmem>>, %arg4: memref<128x128xf32, #tpu.memory_space<vmem>>, %arg5: memref<1x128xf32, #tpu.memory_space<vmem>>, %arg6: memref<128x128xf32, #tpu.memory_space<vmem>>, %arg7: memref<1x128xf32, #tpu.memory_space<vmem>>, %arg8: memref<128x128xf32, #tpu.memory_space<vmem>>, %arg9: memref<1x128xf32, #tpu.memory_space<vmem>>, %arg10: memref<80x128xf32, #tpu.memory_space<vmem>>) attributes {dimension_semantics = [#tpu.dimension_semantics<arbitrary>], iteration_bounds = array<i64: 250>, scalar_prefetch = 0 : i64, scratch_operands = 0 : i64, tpu.core_type = #tpu.core_type<tc>, window_params = [{transform_indices = @transform_0, window_bounds = array<i64: 80, 128>}, {pipeline_mode = #tpu.pipeline_mode<synchronous>, transform_indices = @transform_1, window_bounds = array<i64: 128, 128>}, {pipeline_mode = #tpu.pipeline_mode<synchronous>, transform_indices = @transform_2, window_bounds = array<i64: 1, 128>}, {pipeline_mode = #tpu.pipeline_mode<synchronous>, transform_indices = @transform_3, window_bounds = array<i64: 128, 128>}, {pipeline_mode = #tpu.pipeline_mode<synchronous>, transform_indices = @transform_4, window_bounds = array<i64: 1, 128>}, {pipeline_mode = #tpu.pipeline_mode<synchronous>, transform_indices = @transform_5, window_bounds = array<i64: 128, 128>}, {pipeline_mode = #tpu.pipeline_mode<synchronous>, transform_indices = @transform_6, window_bounds = array<i64: 1, 128>}, {pipeline_mode = #tpu.pipeline_mode<synchronous>, transform_indices = @transform_7, window_bounds = array<i64: 128, 128>}, {pipeline_mode = #tpu.pipeline_mode<synchronous>, transform_indices = @transform_8, window_bounds = array<i64: 1, 128>}, {transform_indices = @transform_9, window_bounds = array<i64: 80, 128>}]} {
    %lt3A = arith.constant 125 : i32
    %lt3A_0 = arith.cmpi slt, %arg0, %lt3A : i32
    %get3A = arith.constant 0 : index
    %get3A_1 = arith.constant 0 : index
    %get3A_2 = vector.load %arg2[%get3A, %get3A_1] : memref<128x128xf32, #tpu.memory_space<vmem>>, vector<128x128xf32>
    %get3A_3 = arith.constant 0 : index
    %get3A_4 = arith.constant 0 : index
    %get3A_5 = vector.load %arg6[%get3A_3, %get3A_4] : memref<128x128xf32, #tpu.memory_space<vmem>>, vector<128x128xf32>
    %select_n3A = arith.select %lt3A_0, %get3A_2, %get3A_5 : vector<128x128xf32>
    %get3A_6 = arith.constant 0 : index
    %get3A_7 = arith.constant 0 : index
    %get3A_8 = vector.load %arg3[%get3A_6, %get3A_7] : memref<1x128xf32, #tpu.memory_space<vmem>>, vector<1x128xf32>
    %get3A_9 = arith.constant 0 : index
    %get3A_10 = arith.constant 0 : index
    %get3A_11 = vector.load %arg7[%get3A_9, %get3A_10] : memref<1x128xf32, #tpu.memory_space<vmem>>, vector<1x128xf32>
    %select_n3A_12 = arith.select %lt3A_0, %get3A_8, %get3A_11 : vector<1x128xf32>
    %get3A_13 = arith.constant 0 : index
    %get3A_14 = arith.constant 0 : index
    %get3A_15 = vector.load %arg4[%get3A_13, %get3A_14] : memref<128x128xf32, #tpu.memory_space<vmem>>, vector<128x128xf32>
    %get3A_16 = arith.constant 0 : index
    %get3A_17 = arith.constant 0 : index
    %get3A_18 = vector.load %arg8[%get3A_16, %get3A_17] : memref<128x128xf32, #tpu.memory_space<vmem>>, vector<128x128xf32>
    %select_n3A_19 = arith.select %lt3A_0, %get3A_15, %get3A_18 : vector<128x128xf32>
    %get3A_20 = arith.constant 0 : index
    %get3A_21 = arith.constant 0 : index
    %get3A_22 = vector.load %arg5[%get3A_20, %get3A_21] : memref<1x128xf32, #tpu.memory_space<vmem>>, vector<1x128xf32>
    %get3A_23 = arith.constant 0 : index
    %get3A_24 = arith.constant 0 : index
    %get3A_25 = vector.load %arg9[%get3A_23, %get3A_24] : memref<1x128xf32, #tpu.memory_space<vmem>>, vector<1x128xf32>
    %select_n3A_26 = arith.select %lt3A_0, %get3A_22, %get3A_25 : vector<1x128xf32>
    %get3A_27 = arith.constant 0 : index
    %get3A_28 = arith.constant 0 : index
    %get3A_29 = vector.load %arg1[%get3A_27, %get3A_28] : memref<80x128xf32, #tpu.memory_space<vmem>>, vector<80x128xf32>
    %dot_general3A = arith.constant dense<0.000000e+00> : vector<80x128xf32>
    %dot_general3A_30 = tpu.matmul %get3A_29, %select_n3A, %dot_general3A {dimension_numbers = #tpu.dot_dimension_numbers<[1], [0], [0], [1], [0, 0, 1, 1], [], []>, transpose_lhs_hint = false} : vector<80x128xf32>, vector<128x128xf32>, vector<80x128xf32> -> vector<80x128xf32>
    %add3A = vector.broadcast %select_n3A_12 : vector<1x128xf32> to vector<80x128xf32>
    %add3A_31 = arith.addf %dot_general3A_30, %add3A : vector<80x128xf32>
    %neg3A = arith.constant 0.000000e+00 : f32
    %neg3A_32 = vector.broadcast %neg3A : f32 to vector<80x128xf32>
    %neg3A_33 = arith.subf %neg3A_32, %add3A_31 : vector<80x128xf32>
    %exp3A = math.exp %neg3A_33 : vector<80x128xf32>
    %add3A_34 = arith.constant 1.000000e+00 : f32
    %add3A_35 = vector.broadcast %add3A_34 : f32 to vector<80x128xf32>
    %add3A_36 = arith.addf %add3A_35, %exp3A : vector<80x128xf32>
    %div3A = arith.constant 1.000000e+00 : f32
    %div3A_37 = vector.broadcast %div3A : f32 to vector<80x128xf32>
    %div3A_38 = arith.divf %div3A_37, %add3A_36 : vector<80x128xf32>
    %mul3A = arith.mulf %add3A_31, %div3A_38 : vector<80x128xf32>
    %dot_general3A_39 = arith.constant dense<0.000000e+00> : vector<80x128xf32>
    %dot_general3A_40 = tpu.matmul %mul3A, %select_n3A_19, %dot_general3A_39 {dimension_numbers = #tpu.dot_dimension_numbers<[1], [0], [0], [1], [0, 0, 1, 1], [], []>, transpose_lhs_hint = false} : vector<80x128xf32>, vector<128x128xf32>, vector<80x128xf32> -> vector<80x128xf32>
    %add3A_41 = vector.broadcast %select_n3A_26 : vector<1x128xf32> to vector<80x128xf32>
    %add3A_42 = arith.addf %dot_general3A_40, %add3A_41 : vector<80x128xf32>
    %neg3A_43 = arith.constant 0.000000e+00 : f32
    %neg3A_44 = vector.broadcast %neg3A_43 : f32 to vector<80x128xf32>
    %neg3A_45 = arith.subf %neg3A_44, %add3A_42 : vector<80x128xf32>
    %exp3A_46 = math.exp %neg3A_45 : vector<80x128xf32>
    %add3A_47 = arith.constant 1.000000e+00 : f32
    %add3A_48 = vector.broadcast %add3A_47 : f32 to vector<80x128xf32>
    %add3A_49 = arith.addf %add3A_48, %exp3A_46 : vector<80x128xf32>
    %div3A_50 = arith.constant 1.000000e+00 : f32
    %div3A_51 = vector.broadcast %div3A_50 : f32 to vector<80x128xf32>
    %div3A_52 = arith.divf %div3A_51, %add3A_49 : vector<80x128xf32>
    %mul3A_53 = arith.mulf %add3A_42, %div3A_52 : vector<80x128xf32>
    %swap3A = arith.constant 0 : index
    %swap3A_54 = arith.constant 0 : index
    %swap3A_55 = vector.load %arg10[%swap3A, %swap3A_54] : memref<80x128xf32, #tpu.memory_space<vmem>>, vector<80x128xf32>
    tpu.vector_store %arg10[%swap3A, %swap3A_54], %mul3A_53 {strides = array<i32>} : memref<80x128xf32, #tpu.memory_space<vmem>>, vector<80x128xf32>,
    return
  }
  func.func @transform_0(%arg0: i32) -> (i32, i32) {
    %jit3A = arith.constant 125 : i32
    %eq3A = arith.constant 0 : i32
    %eq3A_0 = arith.cmpi eq, %jit3A, %eq3A : i32
    %jit3A_1 = arith.constant 1 : i32
    %select_n3A = arith.select %eq3A_0, %jit3A_1, %jit3A : i32
    %rem3A = arith.remsi %arg0, %select_n3A : i32
    %ne3A = arith.constant 0 : i32
    %ne3A_2 = arith.cmpi ne, %rem3A, %ne3A : i32
    %lt3A = arith.constant 0 : i32
    %lt3A_3 = arith.cmpi slt, %rem3A, %lt3A : i32
    %lt3A_4 = arith.constant 0 : i32
    %lt3A_5 = arith.cmpi slt, %select_n3A, %lt3A_4 : i32
    %ne3A_6 = arith.xori %lt3A_3, %lt3A_5 : i1
    %and3A = arith.andi %ne3A_6, %ne3A_2 : i1
    %add3A = arith.addi %rem3A, %select_n3A : i32
    %select_n3A_7 = arith.select %and3A, %add3A, %rem3A : i32
    %c0_i32 = arith.constant 0 : i32
    %c0_i32_8 = arith.constant 0 : i32
    return %select_n3A_7, %c0_i32 : i32, i32
  }
  func.func @transform_1(%arg0: i32) -> (i32, i32) {
    %c0_i32 = arith.constant 0 : i32
    %c0_i32_0 = arith.constant 0 : i32
    %c0_i32_1 = arith.constant 0 : i32
    return %c0_i32, %c0_i32_0 : i32, i32
  }
  func.func @transform_2(%arg0: i32) -> (i32, i32) {
    %c0_i32 = arith.constant 0 : i32
    %c0_i32_0 = arith.constant 0 : i32
    %c0_i32_1 = arith.constant 0 : i32
    return %c0_i32, %c0_i32_0 : i32, i32
  }
  func.func @transform_3(%arg0: i32) -> (i32, i32) {
    %c0_i32 = arith.constant 0 : i32
    %c0_i32_0 = arith.constant 0 : i32
    %c0_i32_1 = arith.constant 0 : i32
    return %c0_i32, %c0_i32_0 : i32, i32
  }
  func.func @transform_4(%arg0: i32) -> (i32, i32) {
    %c0_i32 = arith.constant 0 : i32
    %c0_i32_0 = arith.constant 0 : i32
    %c0_i32_1 = arith.constant 0 : i32
    return %c0_i32, %c0_i32_0 : i32, i32
  }
  func.func @transform_5(%arg0: i32) -> (i32, i32) {
    %c0_i32 = arith.constant 0 : i32
    %c0_i32_0 = arith.constant 0 : i32
    %c0_i32_1 = arith.constant 0 : i32
    return %c0_i32, %c0_i32_0 : i32, i32
  }
  func.func @transform_6(%arg0: i32) -> (i32, i32) {
    %c0_i32 = arith.constant 0 : i32
    %c0_i32_0 = arith.constant 0 : i32
    %c0_i32_1 = arith.constant 0 : i32
    return %c0_i32, %c0_i32_0 : i32, i32
  }
  func.func @transform_7(%arg0: i32) -> (i32, i32) {
    %c0_i32 = arith.constant 0 : i32
    %c0_i32_0 = arith.constant 0 : i32
    %c0_i32_1 = arith.constant 0 : i32
    return %c0_i32, %c0_i32_0 : i32, i32
  }
  func.func @transform_8(%arg0: i32) -> (i32, i32) {
    %c0_i32 = arith.constant 0 : i32
    %c0_i32_0 = arith.constant 0 : i32
    %c0_i32_1 = arith.constant 0 : i32
    return %c0_i32, %c0_i32_0 : i32, i32
  }
  func.func @transform_9(%arg0: i32) -> (i32, i32) {
    %lt3A = arith.constant 125 : i32
    %lt3A_0 = arith.cmpi slt, %arg0, %lt3A : i32
    %add3A = arith.constant 3 : i32
    %add3A_1 = arith.addi %arg0, %add3A : i32
    %select_n3A = arith.select %lt3A_0, %arg0, %add3A_1 : i32
    %c0_i32 = arith.constant 0 : i32
    %c0_i32_2 = arith.constant 0 : i32
    return %select_n3A, %c0_i32 : i32, i32
  }
}

module attributes {stable_mosaic.version = 14 : i64} {
  func.func @body(%arg0: i32, %arg1: memref<348160x128xf32, #tpu.memory_space<any>>, %arg2: memref<2560x16xf32, #tpu.memory_space<vmem>>, %arg3: memref<16x128xf32, #tpu.memory_space<vmem>>, %arg4: memref<1x128xf32, #tpu.memory_space<vmem>>, %arg5: memref<128x128xf32, #tpu.memory_space<vmem>>, %arg6: memref<1x128xf32, #tpu.memory_space<vmem>>, %arg7: memref<2560x128xf32, #tpu.memory_space<vmem>>) attributes {dimension_semantics = [#tpu.dimension_semantics<arbitrary>], iteration_bounds = array<i64: 125>, scalar_prefetch = 0 : i64, scratch_operands = 0 : i64, tpu.core_type = #tpu.core_type<tc>, window_params = [{}, {transform_indices = @transform_1, window_bounds = array<i64: 2560, 16>}, {pipeline_mode = #tpu.pipeline_mode<synchronous>, transform_indices = @transform_2, window_bounds = array<i64: 16, 128>}, {pipeline_mode = #tpu.pipeline_mode<synchronous>, transform_indices = @transform_3, window_bounds = array<i64: 1, 128>}, {pipeline_mode = #tpu.pipeline_mode<synchronous>, transform_indices = @transform_4, window_bounds = array<i64: 128, 128>}, {pipeline_mode = #tpu.pipeline_mode<synchronous>, transform_indices = @transform_5, window_bounds = array<i64: 1, 128>}, {transform_indices = @transform_6, window_bounds = array<i64: 2560, 128>}]} {
    %get3A = arith.constant 0 : index
    %get3A_0 = arith.constant 0 : index
    %get3A_1 = vector.load %arg2[%get3A, %get3A_0] : memref<2560x16xf32, #tpu.memory_space<vmem>>, vector<2560x16xf32>
    %get3A_2 = arith.constant 0 : index
    %get3A_3 = arith.constant 0 : index
    %get3A_4 = vector.load %arg3[%get3A_2, %get3A_3] : memref<16x128xf32, #tpu.memory_space<vmem>>, vector<16x128xf32>
    %dot_general3A = arith.constant dense<0.000000e+00> : vector<2560x128xf32>
    %dot_general3A_5 = tpu.matmul %get3A_1, %get3A_4, %dot_general3A {dimension_numbers = #tpu.dot_dimension_numbers<[1], [0], [0], [1], [0, 0, 1, 1], [], []>, transpose_lhs_hint = false} : vector<2560x16xf32>, vector<16x128xf32>, vector<2560x128xf32> -> vector<2560x128xf32>
    %get3A_6 = arith.constant 0 : index
    %get3A_7 = arith.constant 0 : index
    %get3A_8 = vector.load %arg4[%get3A_6, %get3A_7] : memref<1x128xf32, #tpu.memory_space<vmem>>, vector<1x128xf32>
    %add3A = vector.broadcast %get3A_8 : vector<1x128xf32> to vector<2560x128xf32>
    %add3A_9 = arith.addf %dot_general3A_5, %add3A : vector<2560x128xf32>
    %neg3A = arith.constant 0.000000e+00 : f32
    %neg3A_10 = vector.broadcast %neg3A : f32 to vector<2560x128xf32>
    %neg3A_11 = arith.subf %neg3A_10, %add3A_9 : vector<2560x128xf32>
    %exp3A = math.exp %neg3A_11 : vector<2560x128xf32>
    %add3A_12 = arith.constant 1.000000e+00 : f32
    %add3A_13 = vector.broadcast %add3A_12 : f32 to vector<2560x128xf32>
    %add3A_14 = arith.addf %add3A_13, %exp3A : vector<2560x128xf32>
    %div3A = arith.constant 1.000000e+00 : f32
    %div3A_15 = vector.broadcast %div3A : f32 to vector<2560x128xf32>
    %div3A_16 = arith.divf %div3A_15, %add3A_14 : vector<2560x128xf32>
    %mul3A = arith.mulf %add3A_9, %div3A_16 : vector<2560x128xf32>
    %get3A_17 = arith.constant 0 : index
    %get3A_18 = arith.constant 0 : index
    %get3A_19 = vector.load %arg5[%get3A_17, %get3A_18] : memref<128x128xf32, #tpu.memory_space<vmem>>, vector<128x128xf32>
    %dot_general3A_20 = arith.constant dense<0.000000e+00> : vector<2560x128xf32>
    %dot_general3A_21 = tpu.matmul %mul3A, %get3A_19, %dot_general3A_20 {dimension_numbers = #tpu.dot_dimension_numbers<[1], [0], [0], [1], [0, 0, 1, 1], [], []>, transpose_lhs_hint = false} : vector<2560x128xf32>, vector<128x128xf32>, vector<2560x128xf32> -> vector<2560x128xf32>
    %get3A_22 = arith.constant 0 : index
    %get3A_23 = arith.constant 0 : index
    %get3A_24 = vector.load %arg6[%get3A_22, %get3A_23] : memref<1x128xf32, #tpu.memory_space<vmem>>, vector<1x128xf32>
    %add3A_25 = vector.broadcast %get3A_24 : vector<1x128xf32> to vector<2560x128xf32>
    %add3A_26 = arith.addf %dot_general3A_21, %add3A_25 : vector<2560x128xf32>
    %neg3A_27 = arith.constant 0.000000e+00 : f32
    %neg3A_28 = vector.broadcast %neg3A_27 : f32 to vector<2560x128xf32>
    %neg3A_29 = arith.subf %neg3A_28, %add3A_26 : vector<2560x128xf32>
    %exp3A_30 = math.exp %neg3A_29 : vector<2560x128xf32>
    %add3A_31 = arith.constant 1.000000e+00 : f32
    %add3A_32 = vector.broadcast %add3A_31 : f32 to vector<2560x128xf32>
    %add3A_33 = arith.addf %add3A_32, %exp3A_30 : vector<2560x128xf32>
    %div3A_34 = arith.constant 1.000000e+00 : f32
    %div3A_35 = vector.broadcast %div3A_34 : f32 to vector<2560x128xf32>
    %div3A_36 = arith.divf %div3A_35, %add3A_33 : vector<2560x128xf32>
    %mul3A_37 = arith.mulf %add3A_26, %div3A_36 : vector<2560x128xf32>
    %swap3A = arith.constant 0 : index
    %swap3A_38 = arith.constant 0 : index
    %swap3A_39 = vector.load %arg7[%swap3A, %swap3A_38] : memref<2560x128xf32, #tpu.memory_space<vmem>>, vector<2560x128xf32>
    tpu.vector_store %arg7[%swap3A, %swap3A_38], %mul3A_37 {strides = array<i32>} : memref<2560x128xf32, #tpu.memory_space<vmem>>, vector<2560x128xf32>,
    return
  }
  func.func @transform_1(%arg0: i32) -> (i32, i32) {
    %c0_i32 = arith.constant 0 : i32
    %c0_i32_0 = arith.constant 0 : i32
    return %arg0, %c0_i32 : i32, i32
  }
  func.func @transform_2(%arg0: i32) -> (i32, i32) {
    %c0_i32 = arith.constant 0 : i32
    %c0_i32_0 = arith.constant 0 : i32
    %c0_i32_1 = arith.constant 0 : i32
    return %c0_i32, %c0_i32_0 : i32, i32
  }
  func.func @transform_3(%arg0: i32) -> (i32, i32) {
    %c0_i32 = arith.constant 0 : i32
    %c0_i32_0 = arith.constant 0 : i32
    %c0_i32_1 = arith.constant 0 : i32
    return %c0_i32, %c0_i32_0 : i32, i32
  }
  func.func @transform_4(%arg0: i32) -> (i32, i32) {
    %c0_i32 = arith.constant 0 : i32
    %c0_i32_0 = arith.constant 0 : i32
    %c0_i32_1 = arith.constant 0 : i32
    return %c0_i32, %c0_i32_0 : i32, i32
  }
  func.func @transform_5(%arg0: i32) -> (i32, i32) {
    %c0_i32 = arith.constant 0 : i32
    %c0_i32_0 = arith.constant 0 : i32
    %c0_i32_1 = arith.constant 0 : i32
    return %c0_i32, %c0_i32_0 : i32, i32
  }
  func.func @transform_6(%arg0: i32) -> (i32, i32) {
    %add3A = arith.constant 8 : i32
    %add3A_0 = arith.addi %add3A, %arg0 : i32
    %c0_i32 = arith.constant 0 : i32
    %c0_i32_1 = arith.constant 0 : i32
    return %add3A_0, %c0_i32 : i32, i32
  }
}

module attributes {stable_mosaic.version = 14 : i64} {
  func.func @body(%arg0: i32, %arg1: memref<1000x128xf32, #tpu.memory_space<vmem>>, %arg2: memref<1000x128xf32, #tpu.memory_space<vmem>>, %arg3: memref<128x128xf32, #tpu.memory_space<vmem>>, %arg4: memref<128x128xf32, #tpu.memory_space<vmem>>, %arg5: memref<1x128xf32, #tpu.memory_space<vmem>>, %arg6: memref<128x128xf32, #tpu.memory_space<vmem>>, %arg7: memref<1x128xf32, #tpu.memory_space<vmem>>, %arg8: memref<1000x128xf32, #tpu.memory_space<vmem>>) attributes {dimension_semantics = [#tpu.dimension_semantics<arbitrary>], iteration_bounds = array<i64: 10>, scalar_prefetch = 0 : i64, scratch_operands = 0 : i64, tpu.core_type = #tpu.core_type<tc>, window_params = [{transform_indices = @transform_0, window_bounds = array<i64: 1000, 128>}, {transform_indices = @transform_1, window_bounds = array<i64: 1000, 128>}, {pipeline_mode = #tpu.pipeline_mode<synchronous>, transform_indices = @transform_2, window_bounds = array<i64: 128, 128>}, {pipeline_mode = #tpu.pipeline_mode<synchronous>, transform_indices = @transform_3, window_bounds = array<i64: 128, 128>}, {pipeline_mode = #tpu.pipeline_mode<synchronous>, transform_indices = @transform_4, window_bounds = array<i64: 1, 128>}, {pipeline_mode = #tpu.pipeline_mode<synchronous>, transform_indices = @transform_5, window_bounds = array<i64: 128, 128>}, {pipeline_mode = #tpu.pipeline_mode<synchronous>, transform_indices = @transform_6, window_bounds = array<i64: 1, 128>}, {transform_indices = @transform_7, window_bounds = array<i64: 1000, 128>}]} {
    %get3A = arith.constant 0 : index
    %get3A_0 = arith.constant 0 : index
    %get3A_1 = vector.load %arg1[%get3A, %get3A_0] : memref<1000x128xf32, #tpu.memory_space<vmem>>, vector<1000x128xf32>
    %get3A_2 = arith.constant 0 : index
    %get3A_3 = arith.constant 0 : index
    %get3A_4 = vector.load %arg3[%get3A_2, %get3A_3] : memref<128x128xf32, #tpu.memory_space<vmem>>, vector<128x128xf32>
    %dot_general3A = arith.constant dense<0.000000e+00> : vector<1000x128xf32>
    %dot_general3A_5 = tpu.matmul %get3A_1, %get3A_4, %dot_general3A {dimension_numbers = #tpu.dot_dimension_numbers<[1], [0], [0], [1], [0, 0, 1, 1], [], []>, transpose_lhs_hint = false} : vector<1000x128xf32>, vector<128x128xf32>, vector<1000x128xf32> -> vector<1000x128xf32>
    %get3A_6 = arith.constant 0 : index
    %get3A_7 = arith.constant 0 : index
    %get3A_8 = vector.load %arg2[%get3A_6, %get3A_7] : memref<1000x128xf32, #tpu.memory_space<vmem>>, vector<1000x128xf32>
    %get3A_9 = arith.constant 0 : index
    %get3A_10 = arith.constant 0 : index
    %get3A_11 = vector.load %arg4[%get3A_9, %get3A_10] : memref<128x128xf32, #tpu.memory_space<vmem>>, vector<128x128xf32>
    %dot_general3A_12 = arith.constant dense<0.000000e+00> : vector<1000x128xf32>
    %dot_general3A_13 = tpu.matmul %get3A_8, %get3A_11, %dot_general3A_12 {dimension_numbers = #tpu.dot_dimension_numbers<[1], [0], [0], [1], [0, 0, 1, 1], [], []>, transpose_lhs_hint = false} : vector<1000x128xf32>, vector<128x128xf32>, vector<1000x128xf32> -> vector<1000x128xf32>
    %add3A = arith.addf %dot_general3A_5, %dot_general3A_13 : vector<1000x128xf32>
    %get3A_14 = arith.constant 0 : index
    %get3A_15 = arith.constant 0 : index
    %get3A_16 = vector.load %arg5[%get3A_14, %get3A_15] : memref<1x128xf32, #tpu.memory_space<vmem>>, vector<1x128xf32>
    %add3A_17 = vector.broadcast %get3A_16 : vector<1x128xf32> to vector<1000x128xf32>
    %add3A_18 = arith.addf %add3A, %add3A_17 : vector<1000x128xf32>
    %neg3A = arith.constant 0.000000e+00 : f32
    %neg3A_19 = vector.broadcast %neg3A : f32 to vector<1000x128xf32>
    %neg3A_20 = arith.subf %neg3A_19, %add3A_18 : vector<1000x128xf32>
    %exp3A = math.exp %neg3A_20 : vector<1000x128xf32>
    %add3A_21 = arith.constant 1.000000e+00 : f32
    %add3A_22 = vector.broadcast %add3A_21 : f32 to vector<1000x128xf32>
    %add3A_23 = arith.addf %add3A_22, %exp3A : vector<1000x128xf32>
    %div3A = arith.constant 1.000000e+00 : f32
    %div3A_24 = vector.broadcast %div3A : f32 to vector<1000x128xf32>
    %div3A_25 = arith.divf %div3A_24, %add3A_23 : vector<1000x128xf32>
    %mul3A = arith.mulf %add3A_18, %div3A_25 : vector<1000x128xf32>
    %get3A_26 = arith.constant 0 : index
    %get3A_27 = arith.constant 0 : index
    %get3A_28 = vector.load %arg6[%get3A_26, %get3A_27] : memref<128x128xf32, #tpu.memory_space<vmem>>, vector<128x128xf32>
    %dot_general3A_29 = arith.constant dense<0.000000e+00> : vector<1000x128xf32>
    %dot_general3A_30 = tpu.matmul %mul3A, %get3A_28, %dot_general3A_29 {dimension_numbers = #tpu.dot_dimension_numbers<[1], [0], [0], [1], [0, 0, 1, 1], [], []>, transpose_lhs_hint = false} : vector<1000x128xf32>, vector<128x128xf32>, vector<1000x128xf32> -> vector<1000x128xf32>
    %get3A_31 = arith.constant 0 : index
    %get3A_32 = arith.constant 0 : index
    %get3A_33 = vector.load %arg7[%get3A_31, %get3A_32] : memref<1x128xf32, #tpu.memory_space<vmem>>, vector<1x128xf32>
    %add3A_34 = vector.broadcast %get3A_33 : vector<1x128xf32> to vector<1000x128xf32>
    %add3A_35 = arith.addf %dot_general3A_30, %add3A_34 : vector<1000x128xf32>
    %swap3A = arith.constant 0 : index
    %swap3A_36 = arith.constant 0 : index
    %swap3A_37 = vector.load %arg8[%swap3A, %swap3A_36] : memref<1000x128xf32, #tpu.memory_space<vmem>>, vector<1000x128xf32>
    tpu.vector_store %arg8[%swap3A, %swap3A_36], %add3A_35 {strides = array<i32>} : memref<1000x128xf32, #tpu.memory_space<vmem>>, vector<1000x128xf32>,
    return
  }
  func.func @transform_0(%arg0: i32) -> (i32, i32) {
    %c0_i32 = arith.constant 0 : i32
    %c0_i32_0 = arith.constant 0 : i32
    return %arg0, %c0_i32 : i32, i32
  }
  func.func @transform_1(%arg0: i32) -> (i32, i32) {
    %c0_i32 = arith.constant 0 : i32
    %c0_i32_0 = arith.constant 0 : i32
    return %arg0, %c0_i32 : i32, i32
  }
  func.func @transform_2(%arg0: i32) -> (i32, i32) {
    %c0_i32 = arith.constant 0 : i32
    %c0_i32_0 = arith.constant 0 : i32
    %c0_i32_1 = arith.constant 0 : i32
    return %c0_i32, %c0_i32_0 : i32, i32
  }
  func.func @transform_3(%arg0: i32) -> (i32, i32) {
    %c0_i32 = arith.constant 0 : i32
    %c0_i32_0 = arith.constant 0 : i32
    %c0_i32_1 = arith.constant 0 : i32
    return %c0_i32, %c0_i32_0 : i32, i32
  }
  func.func @transform_4(%arg0: i32) -> (i32, i32) {
    %c0_i32 = arith.constant 0 : i32
    %c0_i32_0 = arith.constant 0 : i32
    %c0_i32_1 = arith.constant 0 : i32
    return %c0_i32, %c0_i32_0 : i32, i32
  }
  func.func @transform_5(%arg0: i32) -> (i32, i32) {
    %c0_i32 = arith.constant 0 : i32
    %c0_i32_0 = arith.constant 0 : i32
    %c0_i32_1 = arith.constant 0 : i32
    return %c0_i32, %c0_i32_0 : i32, i32
  }
  func.func @transform_6(%arg0: i32) -> (i32, i32) {
    %c0_i32 = arith.constant 0 : i32
    %c0_i32_0 = arith.constant 0 : i32
    %c0_i32_1 = arith.constant 0 : i32
    return %c0_i32, %c0_i32_0 : i32, i32
  }
  func.func @transform_7(%arg0: i32) -> (i32, i32) {
    %c0_i32 = arith.constant 0 : i32
    %c0_i32_0 = arith.constant 0 : i32
    return %arg0, %c0_i32 : i32, i32
  }
}

</mosaic_0001>

<sc_bundles>
// kernel: kernel.6.cloned.1.call-start
scs
__scs_entry_jumppad:
0x0: {  	(pc) =	sbr.rel $0x88, $3  }
0x1: {  	(tag) =	ssettag $0x0;
	lr =	simm.s32 $0x1  }
0x2: {  	[smem:$0x3F8E] =	sst lr;
	_ =	strace $0xD0000000  }
0x3: {  	_ = 	snop  }
0x4: {  	_ = 	snop  }
0x5: {  	_ = 	snop  }
0x6: {  	_ = 	snop  }
0x7: {  	_ = 	snop  }
__scs_overlays_trampoline_lowered:
0x8: {  	[smem:$0x3F9D] =	sst s0  }
0x9: {  	[smem:$0x3F9E] =	sst s1  }
0xa: {  	[smem:$0x3F9F] =	sst s2  }
0xb: {  	[smem:$0x3FA0] =	sst s3  }
0xc: {  	[smem:$0x3FA1] =	sst s4  }
0xd: {  	[smem:$0x3FA2] =	sst s5  }
0xe: {  	[smem:$0x3FA3] =	sst s6  }
0xf: {  	[smem:$0x3FA4] =	sst s7  }
0x10: {  	[smem:$0x3FA5] =	sst s8  }
0x11: {  	[smem:$0x3FA6] =	sst s9;
	s0 =	simm.s32 @!p0 $0x0  }
0x12: {  	s1 =	sld [smem:$0x3F8C];
	s0 =	simm.s32 @p0 $0x1  }
0x13: {  	[smem:$0x3FA7] =	sst s0;
	s0 =	simm.s32 @!p1 $0x0  }
0x14: {  	s2 =	sld [smem:$0x3F8B];
	s0 =	simm.s32 @p1 $0x1  }
0x15: {  	[smem:$0x3FA8] =	sst s0;
	s0 =	simm.s32 @!p2 $0x0  }
0x16: {  	s3 =	sld [smem:$0x3FDB];
	s0 =	simm.s32 @p2 $0x1  }
0x17: {  	s4 =	simm.s32 $0x1BF5;
	[smem:$0x3FAA] =	sst s0  }
0x18: {  	s0 =	sld [smem:$0x3F8D];
	_ =	swait.ge [sflag:s4], $0x0  }
0x19: {  	s7 =	sld [smem:$0x3F8E]  }
0x1a: {  	s8 =	sadd.s32 $0xFFFFE003, lr  }
0x1b: {  	s9 =	sadd.s32 $0xFFFFFEF7, lr;
	s5 =	simm.s32 $0xFFFFFFFF;
	p2 =	slt.u32 s8, $0xFFFFF086  }
0x1c: {  	p1 =	slt.u32 s9, $0xF7A;
	s5 =	simm.s32 @!p2 $0x0  }
0x1d: {  	s5 =	simm.s32 @p1 $0x1;
	p0 =	seq.s32 s7, s2  }
0x1e: {  	s7 =	smul.u32 @!p0 $0xF7A, s2;
	p2 =	seq.s32 @!p0 s5, $0x0  }
0x1f: {  	s9 =	smul.u32 $0xF7A, s1;
	s8 =	simm.s32 @!p0 $0x1BF5;
	p2 =	por !p2, p0  }
0x20: {  	[sflag:s8] =	ssyncset.s32 @!p0 $0xFFFFF086;
	s6 =	sadd.s32 @!p0 s3, s7;
	s7 =	simm.s32 @!p0 $0x108  }
0x21: {  	s3 =	sadd.s32 s3, s9;
	s6 =	sadd.s32 @!p0 $0x88, s6;
	s7 =	simm.s32 @p2 $0x1082  }
0x22: {  	[simem:s7], [sflag:s8] =	dma.local @!p0 [hbm:s6], $0xF7A  }
0x23: {  	s9 =	sor.u32 $0xD0000000, s2;
	s6 =	simm.s32 $0x108;
	_ =	swait.ge @!p0 [sflag:s8], $0x0  }
0x24: {  	s3 =	sadd.s32 $0x88, s3;
	s6 =	simm.s32 @!p1 $0x1082;
	[sflag:s4] =	ssyncset.s32 $0xFFFFF086  }
0x25: {  	[simem:s6], [sflag:s4] =	dma.local [hbm:s3], $0xF7A  }
0x26: {  	[smem:$0x3F8E] =	sst s1;
	(tag) =	ssettag s2;
	_ =	strace s9  }
0x27: {  	s1 =	sld [smem:$0x3F9E]  }
0x28: {  	s2 =	sld [smem:$0x3F9F]  }
0x29: {  	s4 =	sld [smem:$0x3FA1]  }
0x2a: {  	p0 =	seq.s32 s5, $0x0;
	s5 =	sld [smem:$0x3FA2]  }
0x2b: {  	s6 =	sld [smem:$0x3FA3]  }
0x2c: {  	s7 =	sld [smem:$0x3FA4]  }
0x2d: {  	s3 =	simm.s32 $0x108;
	s8 =	sld [smem:$0x3FA5]  }
0x2e: {  	s3 =	simm.s32 @!p0 $0x1082;
	s9 =	sld [smem:$0x3FA6]  }
0x2f: {  	lr =	sadd.s32 s0, s3;
	s0 =	sld [smem:$0x3F9D]  }
0x30: {  	s3 =	sld [smem:$0x3FA0]  }
0x31: {  	[smem:$0x3FA9] =	sst s10  }
0x32: {  	s10 =	sld [smem:$0x3FA7];
	_ =	sdelay $0x3  }
0x33: {  	p0 =	seq.s32 s10, $0x1;
	s10 =	sld [smem:$0x3FA9];
	_ =	sdelay $0x3  }
0x34: {  	[smem:$0x3FA9] =	sst s10  }
0x35: {  	s10 =	sld [smem:$0x3FA8];
	_ =	sdelay $0x3  }
0x36: {  	p1 =	seq.s32 s10, $0x1;
	s10 =	sld [smem:$0x3FA9];
	_ =	sdelay $0x3  }
0x37: {  	[smem:$0x3FA9] =	sst s10  }
0x38: {  	s10 =	sld [smem:$0x3FAA]  }
0x39: {  	_ = 	snop;
	(pc) =	sbr.ind lr, $3  }
0x3a: {  	_ = 	snop  }
0x3b: {  	_ = 	snop  }
0x3c: {  	p2 =	seq.s32 s10, $0x1;
	s10 =	sld [smem:$0x3FA9]  }
0x3d: {  	_ =	shalt  }
0x3e: {  	_ =	shalt  }
0x3f: {  	_ =	shalt  }
0x40: {  	_ =	shalt  }
0x41: {  	_ =	shalt  }
0x42: {  	_ =	shalt  }
0x43: {  	_ =	shalt  }
0x44: {  	_ =	shalt  }
0x45: {  	_ =	shalt  }
0x46: {  	_ =	shalt  }
0x47: {  	_ =	shalt  }
0x48: {  	_ =	shalt  }
0x49: {  	_ =	shalt  }
0x4a: {  	_ =	shalt  }
0x4b: {  	_ =	shalt  }
0x4c: {  	_ =	shalt  }
0x4d: {  	_ =	shalt  }
0x4e: {  	_ =	shalt  }
0x4f: {  	_ =	shalt  }
0x50: {  	_ =	shalt  }
0x51: {  	_ =	shalt  }
0x52: {  	_ =	shalt  }
0x53: {  	_ =	shalt  }
0x54: {  	_ =	shalt  }
0x55: {  	_ =	shalt  }
0x56: {  	_ =	shalt  }
0x57: {  	_ =	shalt  }
0x58: {  	_ =	shalt  }
0x59: {  	_ =	shalt  }
0x5a: {  	_ =	shalt  }
0x5b: {  	_ =	shalt  }
0x5c: {  	_ =	shalt  }
0x5d: {  	_ =	shalt  }
0x5e: {  	_ =	shalt  }
0x5f: {  	_ =	shalt  }
0x60: {  	_ =	shalt  }
0x61: {  	_ =	shalt  }
0x62: {  	_ =	shalt  }
0x63: {  	_ =	shalt  }
0x64: {  	_ =	shalt  }
0x65: {  	_ =	shalt  }
0x66: {  	_ =	shalt  }
0x67: {  	_ =	shalt  }
0x68: {  	_ =	shalt  }
0x69: {  	_ =	shalt  }
0x6a: {  	_ =	shalt  }
0x6b: {  	_ =	shalt  }
0x6c: {  	_ =	shalt  }
0x6d: {  	_ =	shalt  }
0x6e: {  	_ =	shalt  }
0x6f: {  	_ =	shalt  }
0x70: {  	_ =	shalt  }
0x71: {  	_ =	shalt  }
0x72: {  	_ =	shalt  }
0x73: {  	_ =	shalt  }
0x74: {  	_ =	shalt  }
0x75: {  	_ =	shalt  }
0x76: {  	_ =	shalt  }
0x77: {  	_ =	shalt  }
0x78: {  	_ =	shalt  }
0x79: {  	_ =	shalt  }
0x7a: {  	_ =	shalt  }
0x7b: {  	_ =	shalt  }
0x7c: {  	_ =	shalt  }
0x7d: {  	_ =	shalt  }
0x7e: {  	_ =	shalt  }
0x7f: {  	_ =	shalt  }
0x80: {  	_ =	shalt  }
0x81: {  	_ =	shalt  }
0x82: {  	_ =	shalt  }
0x83: {  	_ =	shalt  }
0x84: {  	_ =	shalt  }
0x85: {  	_ =	shalt  }
0x86: {  	_ =	shalt  }
0x87: {  	_ =	shalt  }
.Lfunc_end0:
.L_simem_size_0:
called_computation_lowered:
.L_overlay_start_0:
0x88: {  	s0 =	sld [smem:$0x3FD9]  }
0x89: {  	s1 =	sld [smem:$0x3FFE];
	_ =	sdelay $0x3  }
0x8a: {  	s0 =	sadd.s32 s1, s0  }
0x8b: {  	[smem:$0x3FB5] =	sst s0  }
0x8c: {  	_ = 	snop  }
0x8d: {  	s0 =	sld [smem:$0x3FD0];
	(tm) =	ssettm $0x1  }
0x8e: {  	s16 =	sld [smem:$0x3FFB];
	_ =	sdelay $0x3  }
0x8f: {  	_ =	strace s16  }
0x90: {  	s1 =	sld [smem:$0x3FFC];
	_ =	sdelay $0x3  }
0x91: {  	_ =	strace s1  }
0x92: {  	s1 =	sld [smem:$0x3FFD];
	_ =	sdelay $0x3  }
0x93: {  	_ =	strace s1  }
0x94: {  	_ =	strace $0x8FFFFFFF  }
0x95: {  	s17 =	sld [smem:$0x3FDB];
	_ =	sdelay $0x1  }
0x96: {  	s2 =	simm.s32 $_scs_section_size  }
0x97: {  	s3 =	simm.s32 $_size__tile_overlayer_lowered;
	s4 =	simm.s32 $_tile_overlayer_lowered  }
0x98: {  	s20 =	simm.s32 $0x1BFF;
	s19 =	sshll.u32 s4, $0x1;
	s1 =	sadd.s32 s2, s17  }
0x99: {  	s5 =	simm.s32 $0x0;
	s18 =	sshll.u32 s3, $0x1;
	s3 =	sadd.s32 s19, s1  }
0x9a: {  	[timem:s5], [sflag:s20] =	dma.local [hbm:s3], s18  }
0x9b: {  	_ =	swait.ge [sflag:s20], s18  }
0x9c: {  	s2 =	ssub.s32 $0x0, s18;
	[sflag:s20] =	ssyncset.done $0x0  }
0x9d: {  	[sflag:s20] =	ssyncadd.s32 s2;
	_ =	sdelay $0x1  }
0x9e: {  	s21 =	simm.s32 $0x1B8B  }
0x9f: {  	_ =	swait.ge [sflag:s21], $0x1  }
0xa0: {  	[sflag:s21] =	ssyncset.done $0x0  }
0xa1: {  	s23 =	simm.s32 $0x1B8E;
	s22 =	sld [smem:$0x3FFE];
	[sflag:s21] =	ssyncadd.s32 $0xFFFFFFFF  }
0xa2: {  	s24 =	simm.s32 $execute0_lowered;
	[smem:$0x3FD2] =	sst s23  }
0xa3: {  	s3 =	sshll.u32 s24, $0x1;
	_ =	strace $0x80000046;
	[dreg:$0x1] =	wrdreg $0xFFFFFFFF  }
0xa4: {  	s25 =	simm.s32 $_size_execute0_lowered;
	s1 =	sadd.s32 s1, s3;
	[dreg:$0x0] =	wrdreg $0x0  }
0xa5: {  	s3 =	sshll.u32 s25, $0x1;
	[dreg:$0x2] =	wrdreg s1  }
0xa6: {  	[dreg:$0x3] =	wrdreg s3  }
0xa7: {  	[dreg:$0x4] =	wrdreg $0xC0  }
0xa8: {  	_ =	task [dreg:s5], $0x5FFFF  }
0xa9: {  	[dreg:$0x1] =	wrdreg $0xFFFFFFFF  }
0xaa: {  	[dreg:$0x0] =	wrdreg $0x60  }
0xab: {  	[dreg:$0x2] =	wrdreg s22  }
0xac: {  	[dreg:$0x3] =	wrdreg s0  }
0xad: {  	[dreg:$0x4] =	wrdreg $0xB2000  }
0xae: {  	[dreg:$0x5] =	wrdreg $0x9  }
0xaf: {  	_ =	task.clear_ibuf [dreg:s5], $0x6FFFF;
	_ =	strace $0x90000046  }
0xb0: {  	s26 =	simm.s32 $0x9;
	_ =	strace $0x80000048  }
0xb1: {  	_ =	swait.ge [sflag:s26], $0x1  }
0xb2: {  	[sflag:s26] =	ssyncadd.s32 $0xFFFFFFFF  }
0xb3: {  	_ =	strace $0x90000048  }
0xb4: {  	_ =	sfence  }
0xb5: {  	s28 =	sld [smem:$0x0];
	_ =	sdelay $0x1  }
0xb6: {  	s29 =	srdreg.scid  }
0xb7: {  	s30 =	sshll.u32 s29, $0xD;
	s31 =	sshrl.u32 s29, $0x2  }
0xb8: {  	s2 =	sand.u32 $0x4000, s30;
	s1 =	sand.u32 $0x1, s29;
	s0 =	sadd.s32 s31, s28  }
0xb9: {  	s1 =	sor.u32 s2, s1;
	s0 =	sshll.u32 s0, $0x11  }
0xba: {  	s0 =	sor.u32 s0, s1  }
0xbb: {  	s0 =	sadd.s32 $0x8F2B, s0  }
0xbc: {  	[sflag:s0] =	ssyncadd.remote.s32 $0x1  }
0xbd: {  	_ =	sfence.sel $0xFFFF  }
0xbe: {  	[dreg:$0x0] =	wrdreg $0xFFFFFFFF;
	(pc) =	sbr.abs _section_cstart, $3  }
0xbf: {  	[dreg:$0x1] =	wrdreg $0xFFFFFFFF  }
0xc0: {  	_ =	task.clear_ibuf [dreg:s5], $0x2FFFF;
	_ =	strace $0x9FFFFFFF  }
0xc1: {  	(tm) =	ssettm $0x7FFFFFFF  }
tec
execute0_lowered:
.L_overlay_start_1:
0x0: {  	(tag) =	ssettag $0x1  }
0x1: {  	s1 =	rddreg [dreg:$0x0]  }
0x2: {  	s7 =	rddreg [dreg:$0x1]  }
0x3: {  	s2 =	rddreg [dreg:$0x2]  }
0x4: {  	s0 =	rddreg [dreg:$0x3];
	s5 =	simm.s32 $0x0  }
0x5: {  	[smem:$0x7FF] =	sst s5  }
0x6: {  	s4 =	sadd.s32 $0x4E4C00, s1;
	s6 =	sand.u32 $0x7E00, s5;
	s3 =	sadd.s32 $0x2C00, s1  }
0x7: {  	s8 =	sand.u32 $0x70, s5;
	s1 =	stileid.u32;
	s9 =	sshrl.u32 s6, $0x2  }
0x8: {  	v0 =	vimm.f32 $0.0e+00;
	_ =	strace $0x80000047;
	s6 =	simm.s32 $0x40;
	s8 =	sor.u32 s8, s9  }
.LBB2_1:
0x9: {  	p0 =	sne.s32 s6, $0x7FC0  }
0xa: {  	[tilespmem:s8+$0x9200] =	vst v0;
	s5 =	sadd.s32 $0x10, s5;
	s8 =	smov.u32 s6;
	s6 =	sadd.s32 $0x40, s6  }
.Ltmp0:
0xb: {  	(pc) =	sbr.rel @p0 .LBB2_1-.Ltmp0, $4  }
0xc: {  	_ = 	snop  }
0xd: {  	s8 =	sand.u32 $0x7E00, s8  }
0xe: {  	s9 =	sand.u32 $0x70, s5;
	s8 =	sshrl.u32 s8, $0x2  }
0xf: {  	s8 =	sor.u32 s9, s8  }
0x10: {  	s5 =	smul.u32 $0x50000, s1;
	_ =	sdelay $0x1  }
0x11: {  	s5 =	sshrl.u32 s5, $0x2  }
0x12: {  	[tilespmem:s8+$0x9200] =	vst v0;
	s13 =	simm.s32 $0x9200;
	s6 =	simm.s32 $0x2;
	s5 =	sadd.s32 s5, s2  }
0x13: {  	[spmem:s5] =	stream.linear.scatter [tilespmem:s13], [sflag:$0x2], $0x2000, $0x38;
	[tilespmem:$0x1F200] =	vst v63  }
0x14: {  	_ =	swait.ge [sflag:s6], $0x2000  }
0x15: {  	[sflag:s6] =	ssyncset.done $0x0  }
0x16: {  	s9 =	sadd.s32 $0x2000, s5;
	[sflag:s6] =	ssyncadd.s32 $0xFFFFE000  }
0x17: {  	[spmem:s9] =	stream.linear.scatter [tilespmem:s13], [sflag:$0x2], $0x2000, $0x38;
	[tilespmem:$0x1F200] =	vst v63  }
0x18: {  	_ =	swait.ge [sflag:s6], $0x2000  }
0x19: {  	[sflag:s6] =	ssyncset.done $0x0  }
0x1a: {  	s14 =	sadd.s32 $0x4000, s5;
	[sflag:s6] =	ssyncadd.s32 $0xFFFFE000  }
0x1b: {  	[spmem:s14] =	stream.linear.scatter [tilespmem:s13], [sflag:$0x2], $0x2000, $0x38;
	[tilespmem:$0x1F200] =	vst v63  }
0x1c: {  	_ =	swait.ge [sflag:s6], $0x2000  }
0x1d: {  	[sflag:s6] =	ssyncset.done $0x0  }
0x1e: {  	s15 =	sadd.s32 $0x6000, s5;
	[sflag:s6] =	ssyncadd.s32 $0xFFFFE000  }
0x1f: {  	[spmem:s15] =	stream.linear.scatter [tilespmem:s13], [sflag:$0x2], $0x2000, $0x38;
	[tilespmem:$0x1F200] =	vst v63  }
0x20: {  	_ =	swait.ge [sflag:s6], $0x2000  }
0x21: {  	[sflag:s6] =	ssyncset.done $0x0  }
0x22: {  	s16 =	sadd.s32 $0x8000, s5;
	[sflag:s6] =	ssyncadd.s32 $0xFFFFE000  }
0x23: {  	[spmem:s16] =	stream.linear.scatter [tilespmem:s13], [sflag:$0x2], $0x2000, $0x38;
	[tilespmem:$0x1F200] =	vst v63  }
0x24: {  	_ =	swait.ge [sflag:s6], $0x2000  }
0x25: {  	[sflag:s6] =	ssyncset.done $0x0  }
0x26: {  	s17 =	sadd.s32 $0xA000, s5;
	[sflag:s6] =	ssyncadd.s32 $0xFFFFE000  }
0x27: {  	[spmem:s17] =	stream.linear.scatter [tilespmem:s13], [sflag:$0x2], $0x2000, $0x38;
	[tilespmem:$0x1F200] =	vst v63  }
0x28: {  	_ =	swait.ge [sflag:s6], $0x2000  }
0x29: {  	[sflag:s6] =	ssyncset.done $0x0  }
0x2a: {  	s18 =	sadd.s32 $0xC000, s5;
	[sflag:s6] =	ssyncadd.s32 $0xFFFFE000  }
0x2b: {  	[spmem:s18] =	stream.linear.scatter [tilespmem:s13], [sflag:$0x2], $0x2000, $0x38;
	[tilespmem:$0x1F200] =	vst v63  }
0x2c: {  	_ =	swait.ge [sflag:s6], $0x2000  }
0x2d: {  	[sflag:s6] =	ssyncset.done $0x0  }
0x2e: {  	s19 =	sadd.s32 $0xE000, s5;
	[sflag:s6] =	ssyncadd.s32 $0xFFFFE000  }
0x2f: {  	[spmem:s19] =	stream.linear.scatter [tilespmem:s13], [sflag:$0x2], $0x2000, $0x38;
	[tilespmem:$0x1F200] =	vst v63  }
0x30: {  	_ =	swait.ge [sflag:s6], $0x2000  }
0x31: {  	[sflag:s6] =	ssyncset.done $0x0  }
0x32: {  	s20 =	sadd.s32 $0x10000, s5;
	[sflag:s6] =	ssyncadd.s32 $0xFFFFE000  }
0x33: {  	[spmem:s20] =	stream.linear.scatter [tilespmem:s13], [sflag:$0x2], $0x2000, $0x38;
	[tilespmem:$0x1F200] =	vst v63  }
0x34: {  	_ =	swait.ge [sflag:s6], $0x2000  }
0x35: {  	[sflag:s6] =	ssyncset.done $0x0  }
0x36: {  	s21 =	sadd.s32 $0x12000, s5;
	[sflag:s6] =	ssyncadd.s32 $0xFFFFE000  }
0x37: {  	[spmem:s21] =	stream.linear.scatter [tilespmem:s13], [sflag:$0x2], $0x2000, $0x38;
	[tilespmem:$0x1F200] =	vst v63  }
0x38: {  	s22 =	smul.u32 $0xA00, s1;
	_ =	swait.ge [sflag:s6], $0x2000  }
0x39: {  	[sflag:s6] =	ssyncset.done $0x0  }
0x3a: {  	s23 =	simm.s32 $0x0;
	s7 =	sadd.s32 s7, s22;
	[sflag:s6] =	ssyncadd.s32 $0xFFFFE000  }
0x3b: {  	[tilespmem:s23], [sflag:$0x2] =	stream.linear.gather [hbm4b:s7+s23], $0x5000, $0x38;
	[tilespmem:$0x1F200] =	vst v63  }
0x3c: {  	_ =	swait.ge [sflag:s6], $0x5000  }
0x3d: {  	[sflag:s6] =	ssyncset.done $0x0  }
0x3e: {  	[sflag:s6] =	ssyncadd.s32 $0xFFFFB000  }
0x3f: {  	s7 =	simm.s32 $0x40;
	[bflag:$0x0] =	sbarrier.arrive $0xFFFF  }
0x40: {  	s8 =	smul.u32 $0x5000, s1;
	v1 =	vld [tilespmem:s7+$0xFFFFFFC0];
	_ =	sdelay $0x1  }
0x41: {  	s24 =	sadd.s32 $0x0, s8  }
0x42: {  	v0 =	vlaneseq.u32;
	s10 =	sadd.s32 $0x5000, s24  }
0x43: {  	v2 =	vor.u32 s10, v0  }
0x44: {  	[tilespmem:$0x5100] =	vst v2;
	v3 =	vand.u32 $0x3FFF, v1  }
0x45: {  	v1 =	vshrl.u32 v1, $0xE;
	[tilespmem:$0x5180] =	vst v3  }
0x46: {  	v2 =	vadd.s32 $0x2800, v3;
	[tilespmem:$0x5000] =	vst v1  }
0x47: {  	[tilespmem:$0x5080] =	vst v2  }
0x48: {  	v1 =	vld [tilespmem:s7+$0xFFFFFFD0];
	_ =	sdelay $0x2  }
0x49: {  	s25 =	sadd.s32 $0x5010, s24  }
0x4a: {  	v2 =	vor.u32 s25, v0  }
0x4b: {  	[tilespmem:$0x5110] =	vst v2;
	v3 =	vand.u32 $0x3FFF, v1  }
0x4c: {  	v1 =	vshrl.u32 v1, $0xE;
	[tilespmem:$0x5190] =	vst v3  }
0x4d: {  	v2 =	vadd.s32 $0x2800, v3;
	[tilespmem:$0x5010] =	vst v1  }
0x4e: {  	[tilespmem:$0x5090] =	vst v2  }
0x4f: {  	v1 =	vld [tilespmem:s7+$0xFFFFFFE0];
	_ =	sdelay $0x2  }
0x50: {  	s26 =	sadd.s32 $0x5020, s24  }
0x51: {  	v2 =	vor.u32 s26, v0  }
0x52: {  	[tilespmem:$0x5120] =	vst v2;
	v3 =	vand.u32 $0x3FFF, v1  }
0x53: {  	v1 =	vshrl.u32 v1, $0xE;
	[tilespmem:$0x51A0] =	vst v3  }
0x54: {  	v2 =	vadd.s32 $0x2800, v3;
	[tilespmem:$0x5020] =	vst v1  }
0x55: {  	[tilespmem:$0x50A0] =	vst v2  }
0x56: {  	v1 =	vld [tilespmem:s7+$0xFFFFFFF0];
	_ =	sdelay $0x2  }
0x57: {  	s28 =	sadd.s32 $0x5030, s24  }
0x58: {  	v2 =	vor.u32 s28, v0  }
0x59: {  	[tilespmem:$0x5130] =	vst v2;
	v3 =	vand.u32 $0x3FFF, v1  }
0x5a: {  	v1 =	vshrl.u32 v1, $0xE;
	[tilespmem:$0x51B0] =	vst v3  }
0x5b: {  	v2 =	vadd.s32 $0x2800, v3;
	[tilespmem:$0x5030] =	vst v1  }
0x5c: {  	[tilespmem:$0x50B0] =	vst v2  }
0x5d: {  	v1 =	vld [tilespmem:s7+$0x0];
	_ =	sdelay $0x2  }
0x5e: {  	s29 =	sadd.s32 $0x5040, s24  }
0x5f: {  	v2 =	vor.u32 s29, v0  }
0x60: {  	[tilespmem:$0x5140] =	vst v2;
	v3 =	vand.u32 $0x3FFF, v1  }
0x61: {  	v1 =	vshrl.u32 v1, $0xE;
	[tilespmem:$0x51C0] =	vst v3  }
0x62: {  	v2 =	vadd.s32 $0x2800, v3;
	[tilespmem:$0x5040] =	vst v1  }
0x63: {  	[tilespmem:$0x50C0] =	vst v2  }
0x64: {  	v1 =	vld [tilespmem:s7+$0x10];
	_ =	sdelay $0x2  }
0x65: {  	s30 =	sadd.s32 $0x5050, s24  }
0x66: {  	v2 =	vor.u32 s30, v0  }
0x67: {  	[tilespmem:$0x5150] =	vst v2;
	v2 =	vand.u32 $0x3FFF, v1  }
0x68: {  	v1 =	vshrl.u32 v1, $0xE;
	[tilespmem:$0x51D0] =	vst v2  }
0x69: {  	v2 =	vadd.s32 $0x2800, v2;
	[tilespmem:$0x5050] =	vst v1  }
0x6a: {  	[tilespmem:$0x50D0] =	vst v2  }
0x6b: {  	v1 =	vld [tilespmem:s7+$0x20];
	_ =	sdelay $0x2  }
0x6c: {  	s31 =	sadd.s32 $0x5060, s24  }
0x6d: {  	v2 =	vor.u32 s31, v0  }
0x6e: {  	[tilespmem:$0x5160] =	vst v2;
	v2 =	vand.u32 $0x3FFF, v1  }
0x6f: {  	v1 =	vshrl.u32 v1, $0xE;
	[tilespmem:$0x51E0] =	vst v2  }
0x70: {  	v2 =	vadd.s32 $0x2800, v2;
	[tilespmem:$0x5060] =	vst v1  }
0x71: {  	[tilespmem:$0x50E0] =	vst v2  }
0x72: {  	v1 =	vld [tilespmem:s7+$0x30];
	_ =	sdelay $0x2  }
0x73: {  	s9 =	sadd.s32 $0x5070, s24  }
0x74: {  	v2 =	vor.u32 s9, v0  }
0x75: {  	[tilespmem:$0x5170] =	vst v2;
	v2 =	vand.u32 $0x3FFF, v1  }
0x76: {  	v1 =	vshrl.u32 v1, $0xE;
	[tilespmem:$0x51F0] =	vst v2  }
0x77: {  	s12 =	simm.s32 $0x5000;
	v2 =	vadd.s32 $0x2800, v2;
	[tilespmem:$0x5070] =	vst v1  }
0x78: {  	s11 =	simm.s32 $0x1;
	s10 =	simm.s32 $0x5200;
	s9 =	simm.s32 $0x80;
	[tilespmem:$0x50F0] =	vst v2  }
0x79: {  	[tilespmem:s10], [sflag:$0x1] =	stream.indirect.gather [hbm4b:s4+s9], $0x80, s12, s9, $0xb8;
	[tilespmem:$0x1F200] =	vst v63  }
0x7a: {  	_ =	swait.ge [sflag:s11], $0x4000  }
0x7b: {  	[sflag:s11] =	ssyncset.done $0x0  }
0x7c: {  	s13 =	simm.s32 $0x5180;
	[sflag:s11] =	ssyncadd.s32 $0xFFFFC000  }
0x7d: {  	[spmem:s2] =	stream.indirect.scatter.add.f32 [tilespmem:s10], [sflag:$0x2], $0x80, s13, s9, $0xb8;
	[tilespmem:$0x1F200] =	vst v63  }
0x7e: {  	_ =	swait.ge [sflag:s6], $0x4000  }
0x7f: {  	[sflag:s6] =	ssyncset.done $0x0  }
0x80: {  	s14 =	simm.s32 $0x5080;
	[sflag:s6] =	ssyncadd.s32 $0xFFFFC000  }
0x81: {  	[tilespmem:s10], [sflag:$0x1] =	stream.indirect.gather [hbm4b:s4+s9], $0x80, s14, s9, $0xb8;
	[tilespmem:$0x1F200] =	vst v63  }
0x82: {  	_ =	swait.ge [sflag:s11], $0x4000  }
0x83: {  	[sflag:s11] =	ssyncset.done $0x0  }
0x84: {  	[sflag:s11] =	ssyncadd.s32 $0xFFFFC000  }
0x85: {  	[spmem:s2] =	stream.indirect.scatter.add.f32 [tilespmem:s10], [sflag:$0x2], $0x80, s13, s9, $0xb8;
	[tilespmem:$0x1F200] =	vst v63  }
0x86: {  	_ =	swait.ge [sflag:s6], $0x4000  }
0x87: {  	s15 =	simm.s32 $0x5100;
	s16 =	simm.s32 $0x80;
	[sflag:s6] =	ssyncset.done $0x0  }
.LBB2_3:
0x88: {  	p0 =	sne.s32 s16, $0x4F80;
	[sflag:s6] =	ssyncadd.s32 $0xFFFFC000;
	s7 =	sadd.s32 $0x80, s7  }
0x89: {  	[tilespmem:s10], [sflag:$0x1] =	stream.indirect.gather [hbm4b:s4+s9], $0x80, s15, s9, $0xb8;
	[tilespmem:$0x1F200] =	vst v63  }
0x8a: {  	s17 =	smov.u32 s16;
	s16 =	sadd.s32 $0x80, s16;
	_ =	swait.ge [sflag:s11], $0x4000  }
0x8b: {  	[sflag:s11] =	ssyncset.done $0x0  }
0x8c: {  	[sflag:s11] =	ssyncadd.s32 $0xFFFFC000  }
0x8d: {  	[spmem:s2] =	stream.indirect.scatter.add.f32 [tilespmem:s10], [sflag:$0x2], $0x80, s13, s9, $0xb8;
	[tilespmem:$0x1F200] =	vst v63  }
0x8e: {  	_ =	swait.ge [sflag:s6], $0x4000  }
0x8f: {  	[sflag:s6] =	ssyncset.done $0x0  }
0x90: {  	[sflag:s6] =	ssyncadd.s32 $0xFFFFC000  }
0x91: {  	v1 =	vld [tilespmem:s7+$0xFFFFFFC0];
	_ =	sdelay $0x1  }
0x92: {  	s17 =	sadd.s32 s17, s8  }
0x93: {  	s18 =	sadd.s32 $0x5000, s17;
	s21 =	sadd.s32 $0x5010, s17;
	s22 =	sadd.s32 $0x5020, s17  }
0x94: {  	s23 =	sadd.s32 $0x5030, s17;
	s20 =	sadd.s32 $0x5040, s17;
	s19 =	sadd.s32 $0x5050, s17;
	v2 =	vor.u32 s18, v0  }
0x95: {  	s18 =	sadd.s32 $0x5060, s17;
	s17 =	sadd.s32 $0x5070, s17;
	v3 =	vand.u32 $0x3FFF, v1;
	v1 =	vshrl.u32 v1, $0xE;
	[tilespmem:$0x5100] =	vst v2  }
0x96: {  	[tilespmem:$0x5180] =	vst v3;
	v2 =	vadd.s32 $0x2800, v3  }
0x97: {  	[tilespmem:$0x5080] =	vst v2  }
0x98: {  	[tilespmem:$0x5000] =	vst v1  }
0x99: {  	v1 =	vld [tilespmem:s7+$0xFFFFFFD0];
	_ =	sdelay $0x3  }
0x9a: {  	v2 =	vor.u32 s21, v0  }
0x9b: {  	v3 =	vand.u32 $0x3FFF, v1;
	v1 =	vshrl.u32 v1, $0xE;
	[tilespmem:$0x5110] =	vst v2  }
0x9c: {  	[tilespmem:$0x5190] =	vst v3;
	v2 =	vadd.s32 $0x2800, v3  }
0x9d: {  	[tilespmem:$0x5090] =	vst v2  }
0x9e: {  	[tilespmem:$0x5010] =	vst v1  }
0x9f: {  	v1 =	vld [tilespmem:s7+$0xFFFFFFE0];
	_ =	sdelay $0x3  }
0xa0: {  	v2 =	vor.u32 s22, v0  }
0xa1: {  	v3 =	vand.u32 $0x3FFF, v1;
	v1 =	vshrl.u32 v1, $0xE;
	[tilespmem:$0x5120] =	vst v2  }
0xa2: {  	[tilespmem:$0x51A0] =	vst v3;
	v2 =	vadd.s32 $0x2800, v3  }
0xa3: {  	[tilespmem:$0x50A0] =	vst v2  }
0xa4: {  	[tilespmem:$0x5020] =	vst v1  }
0xa5: {  	v1 =	vld [tilespmem:s7+$0xFFFFFFF0];
	_ =	sdelay $0x3  }
0xa6: {  	v2 =	vor.u32 s23, v0  }
0xa7: {  	v3 =	vand.u32 $0x3FFF, v1;
	v1 =	vshrl.u32 v1, $0xE;
	[tilespmem:$0x5130] =	vst v2  }
0xa8: {  	[tilespmem:$0x51B0] =	vst v3;
	v2 =	vadd.s32 $0x2800, v3  }
0xa9: {  	[tilespmem:$0x50B0] =	vst v2  }
0xaa: {  	[tilespmem:$0x5030] =	vst v1  }
0xab: {  	v1 =	vld [tilespmem:s7+$0x0];
	_ =	sdelay $0x3  }
0xac: {  	v2 =	vor.u32 s20, v0  }
0xad: {  	v3 =	vand.u32 $0x3FFF, v1;
	v1 =	vshrl.u32 v1, $0xE;
	[tilespmem:$0x5140] =	vst v2  }
0xae: {  	[tilespmem:$0x51C0] =	vst v3;
	v2 =	vadd.s32 $0x2800, v3  }
0xaf: {  	[tilespmem:$0x50C0] =	vst v2  }
0xb0: {  	[tilespmem:$0x5040] =	vst v1  }
0xb1: {  	v2 =	vor.u32 s19, v0;
	v1 =	vld [tilespmem:s7+$0x10]  }
0xb2: {  	[tilespmem:$0x5150] =	vst v2;
	_ =	sdelay $0x3  }
0xb3: {  	v2 =	vand.u32 $0x3FFF, v1;
	v1 =	vshrl.u32 v1, $0xE  }
0xb4: {  	[tilespmem:$0x51D0] =	vst v2;
	v2 =	vadd.s32 $0x2800, v2  }
0xb5: {  	[tilespmem:$0x50D0] =	vst v2  }
0xb6: {  	[tilespmem:$0x5050] =	vst v1  }
0xb7: {  	v2 =	vor.u32 s18, v0;
	v1 =	vld [tilespmem:s7+$0x20]  }
0xb8: {  	[tilespmem:$0x5160] =	vst v2;
	_ =	sdelay $0x3  }
0xb9: {  	v2 =	vand.u32 $0x3FFF, v1;
	v1 =	vshrl.u32 v1, $0xE  }
0xba: {  	[tilespmem:$0x51E0] =	vst v2;
	v2 =	vadd.s32 $0x2800, v2  }
0xbb: {  	[tilespmem:$0x50E0] =	vst v2  }
0xbc: {  	[tilespmem:$0x5060] =	vst v1  }
0xbd: {  	v2 =	vor.u32 s17, v0;
	v1 =	vld [tilespmem:s7+$0x30]  }
0xbe: {  	[tilespmem:$0x5170] =	vst v2;
	_ =	sdelay $0x3  }
0xbf: {  	v2 =	vand.u32 $0x3FFF, v1;
	v1 =	vshrl.u32 v1, $0xE  }
0xc0: {  	[tilespmem:$0x51F0] =	vst v2;
	v2 =	vadd.s32 $0x2800, v2  }
0xc1: {  	[tilespmem:$0x50F0] =	vst v2  }
0xc2: {  	[tilespmem:$0x5070] =	vst v1  }
0xc3: {  	[tilespmem:s10], [sflag:$0x1] =	stream.indirect.gather [hbm4b:s4+s9], $0x80, s12, s9, $0xb8;
	[tilespmem:$0x1F200] =	vst v63  }
0xc4: {  	_ =	swait.ge [sflag:s11], $0x4000  }
0xc5: {  	[sflag:s11] =	ssyncset.done $0x0  }
0xc6: {  	[sflag:s11] =	ssyncadd.s32 $0xFFFFC000  }
0xc7: {  	[spmem:s2] =	stream.indirect.scatter.add.f32 [tilespmem:s10], [sflag:$0x2], $0x80, s13, s9, $0xb8;
	[tilespmem:$0x1F200] =	vst v63  }
0xc8: {  	_ =	swait.ge [sflag:s6], $0x4000  }
0xc9: {  	[sflag:s6] =	ssyncset.done $0x0  }
0xca: {  	[sflag:s6] =	ssyncadd.s32 $0xFFFFC000  }
0xcb: {  	[tilespmem:s10], [sflag:$0x1] =	stream.indirect.gather [hbm4b:s4+s9], $0x80, s14, s9, $0xb8;
	[tilespmem:$0x1F200] =	vst v63  }
0xcc: {  	_ =	swait.ge [sflag:s11], $0x4000  }
.Ltmp1:
0xcd: {  	[sflag:s11] =	ssyncset.done $0x0;
	(pc) =	sbr.rel @p0 .LBB2_3-.Ltmp1, $4  }
0xce: {  	[sflag:s11] =	ssyncadd.s32 $0xFFFFC000  }
0xcf: {  	[spmem:s2] =	stream.indirect.scatter.add.f32 [tilespmem:s10], [sflag:$0x2], $0x80, s13, s9, $0xb8;
	[tilespmem:$0x1F200] =	vst v63  }
0xd0: {  	_ =	swait.ge [sflag:s6], $0x4000  }
0xd1: {  	[sflag:s6] =	ssyncset.done $0x0  }
0xd2: {  	[sflag:s6] =	ssyncadd.s32 $0xFFFFC000  }
0xd3: {  	[tilespmem:s10], [sflag:$0x1] =	stream.indirect.gather [hbm4b:s4+s9], $0x80, s15, s9, $0xb8;
	[tilespmem:$0x1F200] =	vst v63  }
0xd4: {  	_ =	swait.ge [sflag:s11], $0x4000  }
0xd5: {  	[sflag:s11] =	ssyncset.done $0x0  }
0xd6: {  	[sflag:s11] =	ssyncadd.s32 $0xFFFFC000  }
0xd7: {  	[spmem:s2] =	stream.indirect.scatter.add.f32 [tilespmem:s10], [sflag:$0x2], $0x80, s13, s9, $0xb8;
	[tilespmem:$0x1F200] =	vst v63  }
0xd8: {  	_ =	swait.ge [sflag:s6], $0x4000  }
0xd9: {  	s28 =	smul.u32 $0x2800, s1;
	s29 =	sshll.u32 s1, $0x6;
	[sflag:s6] =	ssyncset.done $0x0  }
0xda: {  	s30 =	sshrl.u32 s5, $0x3;
	s31 =	simm.s32 $0x2;
	[sflag:s6] =	ssyncadd.s32 $0xFFFFC000  }
0xdb: {  	s2 =	sadd.s32 s3, s28;
	s3 =	sor.u32 $0x1C02, s29;
	[bflag:$0x0] =	sbarrier.arrive $0xFFFF  }
0xdc: {  	[hbm:s2], [sflag:s3] =	dma.local [spmem:s30], $0x2800  }
0xdd: {  	_ =	swait.ge [sflag:s31], $0x2800  }
0xde: {  	[sflag:s31] =	ssyncset.done $0x0  }
0xdf: {  	[sflag:s31] =	ssyncadd.s32 $0xFFFFD800  }
0xe0: {  	_ =	sfence.sel $0x180000  }
0xe1: {  	[bflag:$0x0] =	sbarrier.arrive $0xFFFF  }
0xe2: {  	p0 =	sne.s32 s1, $0x0;
	_ =	strace $0x90000047  }
0xe3: {  	s0 =	sadd.s32 @!p0 $0x100000, s0;
	[bflag:$0x2] =	sbarrier.arrive $0xFFFF  }
0xe4: {  	[sflag:s0] =	ssyncadd.tile.s32 @!p0 $0x1;
	_ =	shalt  }
.Lfunc_end2:
_tile_overlayer_lowered:
.L_overlay_start_2:
0xe5: {  	(tag) =	ssettag $0x2  }
0xe6: {  	s0 =	rddreg [dreg:$0x0];
	s2 =	stileid.u32  }
0xe7: {  	s1 =	rddreg [dreg:$0x1];
	p0 =	sne.s32 s2, $0x0  }
0xe8: {  	s3 =	rddreg [dreg:$0x2];
	[bflag:$0x3] =	sbarrier.arrive $0xFFFF;
	s2 =	simm.s32 @!p0 $0x1C02  }
0xe9: {  	[timem:s3], [sflag:s2] =	dma.local @!p0 [hbm:s0], s1  }
0xea: {  	s0 =	simm.s32 @!p0 $0x2  }
0xeb: {  	_ =	swait.ge @!p0 [sflag:s0], s1  }
0xec: {  	s1 =	ssub.s32 @!p0 $0x0, s1;
	[sflag:s0] =	ssyncset.done @!p0 $0x0  }
0xed: {  	[sflag:s0] =	ssyncadd.s32 @!p0 s1  }
0xee: {  	[bflag:$0x3] =	sbarrier.arrive $0xFFFF  }
0xef: {  	_ =	shalt  }

</sc_bundles>
